<compile_context>
chip_gen: v7x
topology: tpu7x:2x2x1
jax: 0.10.2.dev20260603
libtpu: 0.0.44.dev20260713+nightly
codegen_flags: <defaults>
</compile_context>

<pallas_src>
import dataclasses
import functools

import jax
import jax.numpy as jnp
from jax import lax
from jax.experimental import pallas as pl
from jax.experimental.pallas import tpu as pltpu
from jax.experimental.pallas import tpu_sc as plsc

NC = 2
NS = 16
NW = NC * NS
CH = 128
PACK = 1 << 14
CORE0_FRAC = 0.61


def _sc_segment_sum(x_var, packed3, z_acc, z_cnt,
                    nca, ncb, n_acc, rows_per_sub, H):
    ncmax = -(-max(nca, ncb) // 8) * 8
    win = -(-ncmax // 16) * 8
    mesh = plsc.VectorSubcoreMesh(core_axis_name="c", subcore_axis_name="s",
                                  num_cores=NC, num_subcores=NS)
    cp = pltpu.CompilerParams()
    if "needs_layout_passes" in pltpu.CompilerParams.__dataclass_fields__:
        cp = dataclasses.replace(cp, needs_layout_passes=False)

    @functools.partial(
        pl.kernel,
        compiler_params=cp,
        out_type=(
            jax.ShapeDtypeStruct((NC, n_acc, H), jnp.float32),
            jax.ShapeDtypeStruct((NW, n_acc), jnp.float32),
        ),
        mesh=mesh,
        scratch_types=[
            pltpu.VMEM((win, CH), jnp.int32),
            pltpu.VMEM((2, CH), jnp.int32),
            pltpu.VMEM((2, CH), jnp.int32),
            pltpu.VMEM((2, CH, H), jnp.float32),
            pltpu.VMEM((n_acc,), jnp.float32),
            pltpu.VMEM_SHARED((n_acc, H), jnp.float32),
            pltpu.SemaphoreType.DMA,
            pltpu.SemaphoreType.DMA,
        ],
    )
    def sc_kernel(x_hbm, pk_hbm, zacc_hbm, zcnt_hbm, acc_hbm, cnt_hbm,
                  pk_v, src_r, dst_r, rows_v, cnt_v, acc_sh, sem0, sem1):
        cid = lax.axis_index("c")
        sid = lax.axis_index("s")
        wid = sid * NC + cid
        nc = jnp.where(cid == 0, nca, ncb)
        base = pl.multiple_of(cid * nca, 8)
        pltpu.sync_copy(zcnt_hbm, cnt_v)
        row0 = sid * rows_per_sub
        pltpu.sync_copy(zacc_hbm, acc_sh.at[pl.ds(row0, rows_per_sub)])
        plsc.subcore_barrier()

        ones_reg = jnp.ones((16,), jnp.float32)
        sems = (sem0, sem1)

        def unpack(j, ring):
            @pl.loop(0, CH // 16)
            def _(k):
                p = pk_v[j, pl.ds(k * 16, 16)]
                d16 = lax.bitwise_and(p, PACK - 1)
                src_r[ring, pl.ds(k * 16, 16)] = lax.shift_right_logical(p, 14)
                dst_r[ring, pl.ds(k * 16, 16)] = d16
                plsc.addupdate_scatter(cnt_v, [d16], ones_reg)

        def fire(buf):
            pltpu.async_copy(x_hbm.at[src_r.at[buf]], rows_v.at[buf],
                             sems[buf])

        def drain(buf):
            pltpu.make_async_copy(x_hbm.at[src_r.at[buf]], rows_v.at[buf],
                                  sems[buf]).wait()
            pltpu.sync_copy(rows_v.at[buf], acc_sh.at[dst_r.at[buf]],
                            add=True)

        def phase(w, n):
            pltpu.sync_copy(pk_hbm.at[sid, pl.ds(base + w * win, win)], pk_v)

            @pl.when(n >= 1)
            def _():
                unpack(0, 0)
                fire(0)

            @pl.when(n >= 2)
            def _():
                unpack(1, 1)
                fire(1)

            @pl.loop(0, n, step=2)
            def _(j):
                drain(0)

                @pl.when(j + 2 < n)
                def _():
                    unpack(j + 2, 0)
                    fire(0)

                @pl.when(j + 1 < n)
                def _():
                    drain(1)

                @pl.when(j + 3 < n)
                def _():
                    unpack(j + 3, 1)
                    fire(1)

        n0 = jnp.minimum(nc, win)
        phase(0, n0)

        @pl.when(nc > win)
        def _():
            phase(1, nc - win)

        plsc.subcore_barrier()
        pltpu.sync_copy(acc_sh.at[pl.ds(row0, rows_per_sub)],
                        acc_hbm.at[cid, pl.ds(row0, rows_per_sub)])
        pltpu.sync_copy(cnt_v, cnt_hbm.at[wid])

    return sc_kernel(x_var, packed3, z_acc, z_cnt)


def _tail_body(acc_ref, cnt_ref, clue_ref, wm_ref, bm_ref, wua_ref, wc_ref,
               bu_ref, g_ref, be_ref, o_ref):
    A = acc_ref[0] + acc_ref[1]
    cnt = jnp.sum(cnt_ref[...], axis=1, keepdims=True)
    m = lax.dot_general(A, wm_ref[...], (((1,), (0,)), ((), ())),
                        precision=lax.Precision.DEFAULT)
    agg = (m + cnt * bm_ref[...]) / (cnt + 1e-6)
    u = lax.dot_general(agg, wua_ref[...], (((1,), (0,)), ((), ())),
                        precision=lax.Precision.DEFAULT)
    u = u + clue_ref[...] * wc_ref[...] + bu_ref[...]
    u = jnp.maximum(u, 0.0)
    mu = jnp.mean(u, axis=1, keepdims=True)
    var = jnp.mean((u - mu) ** 2, axis=1, keepdims=True)
    o_ref[...] = (u - mu) * lax.rsqrt(var + 1e-5) * g_ref[...] + be_ref[...]


def kernel(x_var, edge_index, clue_values, num_con,
           W_msg, b_msg, W_upd, b_upd, gamma, beta):
    N_var, H = x_var.shape
    N_con = clue_values.shape[0]
    E = edge_index.shape[1]
    src = edge_index[0].astype(jnp.int32)
    dst = edge_index[1].astype(jnp.int32)

    packed = src * PACK + dst
    total_chunks = -(-E // CH)
    per_sid = -(-total_chunks // NS)
    cap = per_sid * NS * CH
    if cap > E:
        packed = jnp.concatenate(
            [packed, jnp.full((cap - E,), N_con, jnp.int32)])
    nca = int(round(per_sid * CORE0_FRAC / 8)) * 8
    ncb = per_sid - nca
    ncmax = -(-max(nca, ncb) // 8) * 8
    win = -(-ncmax // 16) * 8
    dim2 = max(per_sid, nca + 2 * win)
    packed3 = packed.reshape(NS, per_sid, CH)
    if dim2 > per_sid:
        packed3 = jnp.concatenate(
            [packed3, jnp.full((NS, dim2 - per_sid, CH), N_con, jnp.int32)],
            axis=1)

    rows_per_sub = (-(-(N_con + 1) // NS) + 7) // 8 * 8
    n_acc = rows_per_sub * NS

    z_acc = jnp.zeros((rows_per_sub, H), jnp.float32)
    z_cnt = jnp.zeros((n_acc,), jnp.float32)

    acc, cnt = _sc_segment_sum(x_var, packed3, z_acc, z_cnt,
                               nca, ncb, n_acc, rows_per_sub, H)
    cnt_t = cnt.T

    delta = (jnp.asarray(num_con) - N_con).astype(jnp.float32)
    beta_eff = (beta + delta).reshape(1, H)

    BLK = 2000
    grid = -(-N_con // BLK)
    out = pl.pallas_call(
        _tail_body,
        grid=(grid,),
        in_specs=[
            pl.BlockSpec((NC, BLK, H), lambda i: (0, i, 0)),
            pl.BlockSpec((BLK, NW), lambda i: (i, 0)),
            pl.BlockSpec((BLK, 1), lambda i: (i, 0)),
            pl.BlockSpec((H, H), lambda i: (0, 0)),
            pl.BlockSpec((1, H), lambda i: (0, 0)),
            pl.BlockSpec((H, H), lambda i: (0, 0)),
            pl.BlockSpec((1, H), lambda i: (0, 0)),
            pl.BlockSpec((1, H), lambda i: (0, 0)),
            pl.BlockSpec((1, H), lambda i: (0, 0)),
            pl.BlockSpec((1, H), lambda i: (0, 0)),
        ],
        out_specs=pl.BlockSpec((BLK, H), lambda i: (i, 0)),
        out_shape=jax.ShapeDtypeStruct((N_con, H), jnp.float32),
    )(acc, cnt_t, clue_values.reshape(N_con, 1), W_msg, b_msg.reshape(1, H),
      W_upd[:H], W_upd[H:H + 1], b_upd.reshape(1, H), gamma.reshape(1, H),
      beta_eff)
    return out

# --- scband reference (transcript-rebuilt; emitter-appended) ---
"""Pipeline reference for scband-var-to-con-39298950759063 (READ-ONLY COPY).

The authoritative reference and input builder live on the scoring server;
editing this copy changes nothing except your own understanding.
"""

import jax, jax.numpy as jnp
import numpy as np


def setup_inputs(seed: int = 0) -> dict:
    key = jax.random.key(seed)
    ks = jax.random.split(key, 12)
    N_var = 10000
    N_con = 10000
    E = 320000
    H = 128
    x_var = jax.random.normal(ks[0], (N_var, H), dtype=jnp.float32)
    src = jax.random.randint(ks[1], (E,), 0, N_var)
    dst = jax.random.randint(ks[2], (E,), 0, N_con)
    edge_index = jnp.stack([src, dst], axis=0)
    clue_values = jax.random.normal(ks[3], (N_con,), dtype=jnp.float32)
    # Learned parameters (nn.Linear uses y = x @ W.T + b; here stored pre-transposed as [in, out])
    W_msg = jax.random.normal(ks[4], (H, H), dtype=jnp.float32) * 0.05
    b_msg = jax.random.normal(ks[5], (H,), dtype=jnp.float32) * 0.05
    W_upd = jax.random.normal(ks[6], (H + 1, H), dtype=jnp.float32) * 0.05
    b_upd = jax.random.normal(ks[7], (H,), dtype=jnp.float32) * 0.05
    gamma = jnp.ones((H,), dtype=jnp.float32)
    beta = jnp.zeros((H,), dtype=jnp.float32)
    return {
        "x_var": x_var,
        "edge_index": edge_index,
        "clue_values": clue_values,
        "num_con": N_con,
        "W_msg": W_msg,
        "b_msg": b_msg,
        "W_upd": W_upd,
        "b_upd": b_upd,
        "gamma": gamma,
        "beta": beta,
    }


def reference(x_var, edge_index, clue_values, num_con, W_msg, b_msg, W_upd, b_upd, gamma, beta):
    src = edge_index[0]
    dst = edge_index[1]
    n_con_static = clue_values.shape[0]
    # var_messages = self.msg(x_var[src])
    var_messages = x_var[src] @ W_msg + b_msg  # (E, H)
    # dst_count = torch.bincount(dst, minlength=num_con)
    dst_count = jnp.bincount(dst, length=n_con_static)
    # normalized scatter-add
    agg = jnp.zeros((n_con_static, var_messages.shape[1]), dtype=var_messages.dtype)
    agg = agg.at[dst].add(var_messages)
    agg = agg / (dst_count[:, None].astype(var_messages.dtype) + 1e-06)
    # concat clue values
    agg = jnp.concatenate([agg, clue_values[:, None]], axis=1)  # (num_con, H+1)
    out = jax.nn.relu(agg @ W_upd + b_upd)
    # LayerNorm (eps=1e-5, elementwise affine)
    mu = jnp.mean(out, axis=-1, keepdims=True)
    var = jnp.var(out, axis=-1, keepdims=True)
    out = (out - mu) / jnp.sqrt(var + 1e-05) * gamma + beta
    out = out + (jnp.asarray(num_con) - n_con_static).astype(out.dtype)
    return out

if __name__ == "__main__":
    import jax
    _d = setup_inputs()
    print(jax.jit(kernel)(*tuple(_d.values())))

</pallas_src>

<mosaic_0001>
#map = affine_map<(d0, d1) -> (0, 0)>
#map1 = affine_map<(d0, d1) -> (0, 0, 0)>
#map2 = affine_map<(d0, d1) -> (0)>
module attributes {stable_mosaic.version = 14 : i64} {
  func.func @sc_kernel(%arg0: i32, %arg1: i32, %arg2: memref<10000x128xf32, #tpu.memory_space<hbm>>, %arg3: memref<16x192x128xi32, #tpu.memory_space<hbm>>, %arg4: memref<632x128xf32, #tpu.memory_space<hbm>>, %arg5: memref<10112xf32, #tpu.memory_space<hbm>>, %arg6: memref<2x10112x128xf32, #tpu.memory_space<hbm>>, %arg7: memref<32x10112xf32, #tpu.memory_space<hbm>>, %arg8: memref<48x128xi32, #tpu.memory_space<vmem>>, %arg9: memref<2x128xi32, #tpu.memory_space<vmem>>, %arg10: memref<2x128xi32, #tpu.memory_space<vmem>>, %arg11: memref<2x128x128xf32, #tpu.memory_space<vmem>>, %arg12: memref<10112xf32, #tpu.memory_space<vmem>>, %arg13: memref<10112x128xf32, #tpu.memory_space<vmem_shared>>, %arg14: memref<!tpu.dma_semaphore, #tpu.memory_space<semaphore_mem>>, %arg15: memref<!tpu.dma_semaphore, #tpu.memory_space<semaphore_mem>>) attributes {dimension_semantics = [#tpu.dimension_semantics<core_parallel>, #tpu.dimension_semantics<subcore_parallel>], iteration_bounds = array<i64: 2, 16>, scalar_prefetch = 0 : i64, scratch_operands = 8 : i64, tpu.core_type = #tpu.core_type<sc_vector_subcore>, window_params = [{transform_indices = #map}, {transform_indices = #map1}, {transform_indices = #map}, {transform_indices = #map2}, {transform_indices = #map1}, {transform_indices = #map}]} {
    %mul3A = arith.constant 2 : i32
    %mul3A_0 = arith.muli %arg1, %mul3A : i32
    %add3A = arith.addi %mul3A_0, %arg0 : i32
    %eq3A = arith.constant 0 : i32
    %eq3A_1 = arith.cmpi eq, %arg0, %eq3A : i32
    %jit3A = arith.constant 96 : i32
    %jit3A_2 = arith.constant 61 : i32
    %select_n3A = arith.select %eq3A_1, %jit3A, %jit3A_2 : i32
    %mul3A_3 = arith.constant 96 : i32
    %mul3A_4 = arith.muli %arg0, %mul3A_3 : i32
    %multiple_of3A = tpu.assume_multiple %mul3A_4, 8 : i32
    "tpu.region"() ({
      %run_scoped3A = tpu.sem_alloc : memref<!tpu.dma_semaphore, #tpu.memory_space<semaphore_mem>>
      tpu.enqueue_dma source(%arg5 : memref<10112xf32, #tpu.memory_space<hbm>>) target(%arg12 : memref<10112xf32, #tpu.memory_space<vmem>>) target_semaphore(%run_scoped3A : memref<!tpu.dma_semaphore, #tpu.memory_space<semaphore_mem>>)
      tpu.wait_dma2 semaphore(%run_scoped3A : memref<!tpu.dma_semaphore, #tpu.memory_space<semaphore_mem>>) src(%arg5 : memref<10112xf32, #tpu.memory_space<hbm>>) dst(%arg12 : memref<10112xf32, #tpu.memory_space<vmem>>)
      tpu.yield
    }) : () -> ()
    %mul3A_5 = arith.constant 632 : i32
    %mul3A_6 = arith.muli %arg1, %mul3A_5 : i32
    "tpu.region"() ({
      %run_scoped3A = tpu.sem_alloc : memref<!tpu.dma_semaphore, #tpu.memory_space<semaphore_mem>>
      %dma_start3A = arith.constant 0 : i32
      %dma_start3A_39 = tpu.memref_slice %arg13[%mul3A_6, %dma_start3A] : memref<10112x128xf32, #tpu.memory_space<vmem_shared>> -> memref<632x128xf32, #tpu.memory_space<vmem_shared>>
      tpu.enqueue_dma source(%arg4 : memref<632x128xf32, #tpu.memory_space<hbm>>) target(%dma_start3A_39 : memref<632x128xf32, #tpu.memory_space<vmem_shared>>) target_semaphore(%run_scoped3A : memref<!tpu.dma_semaphore, #tpu.memory_space<semaphore_mem>>)
      %dma_wait3A = arith.constant 0 : i32
      %dma_wait3A_40 = tpu.memref_slice %arg13[%mul3A_6, %dma_wait3A] : memref<10112x128xf32, #tpu.memory_space<vmem_shared>> -> memref<632x128xf32, #tpu.memory_space<vmem_shared>>
      tpu.wait_dma2 semaphore(%run_scoped3A : memref<!tpu.dma_semaphore, #tpu.memory_space<semaphore_mem>>) src(%arg4 : memref<632x128xf32, #tpu.memory_space<hbm>>) dst(%dma_wait3A_40 : memref<632x128xf32, #tpu.memory_space<vmem_shared>>)
      tpu.yield
    }) : () -> ()
    %barrier3A = arith.constant 0 : index
    tpu.barrier barrier_id(%barrier3A)
    %broadcast_in_dim3A = arith.constant 1.000000e+00 : f32
    %broadcast_in_dim3A_7 = vector.broadcast %broadcast_in_dim3A : f32 to vector<16xf32>
    %min3A = arith.constant 48 : i32
    %min3A_8 = arith.minsi %select_n3A, %min3A : i32
    %add3A_9 = arith.constant 0 : i32
    %add3A_10 = arith.addi %multiple_of3A, %add3A_9 : i32
    "tpu.region"() ({
      %run_scoped3A = tpu.sem_alloc : memref<!tpu.dma_semaphore, #tpu.memory_space<semaphore_mem>>
      %dma_start3A = arith.constant 0 : i32
      %dma_start3A_39 = tpu.memref_slice %arg3[%arg1, %add3A_10, %dma_start3A] : memref<16x192x128xi32, #tpu.memory_space<hbm>> -> memref<1x48x128xi32, #tpu.memory_space<hbm>>
      %dma_start3A_40 = tpu.memref_squeeze %dma_start3A_39 : memref<1x48x128xi32, #tpu.memory_space<hbm>> -> memref<48x128xi32, #tpu.memory_space<hbm>>
      %dma_start3A_41 = arith.constant 0 : i32
      %dma_start3A_42 = tpu.memref_slice %arg3[%arg1, %add3A_10, %dma_start3A_41] : memref<16x192x128xi32, #tpu.memory_space<hbm>> -> memref<1x48x128xi32, #tpu.memory_space<hbm>>
      %dma_start3A_43 = tpu.memref_squeeze %dma_start3A_42 : memref<1x48x128xi32, #tpu.memory_space<hbm>> -> memref<48x128xi32, #tpu.memory_space<hbm>>
      tpu.enqueue_dma source(%dma_start3A_43 : memref<48x128xi32, #tpu.memory_space<hbm>>) target(%arg8 : memref<48x128xi32, #tpu.memory_space<vmem>>) target_semaphore(%run_scoped3A : memref<!tpu.dma_semaphore, #tpu.memory_space<semaphore_mem>>)
      %dma_wait3A = arith.constant 0 : i32
      %dma_wait3A_44 = tpu.memref_slice %arg3[%arg1, %add3A_10, %dma_wait3A] : memref<16x192x128xi32, #tpu.memory_space<hbm>> -> memref<1x48x128xi32, #tpu.memory_space<hbm>>
      %dma_wait3A_45 = tpu.memref_squeeze %dma_wait3A_44 : memref<1x48x128xi32, #tpu.memory_space<hbm>> -> memref<48x128xi32, #tpu.memory_space<hbm>>
      %dma_wait3A_46 = arith.constant 0 : i32
      %dma_wait3A_47 = tpu.memref_slice %arg3[%arg1, %add3A_10, %dma_wait3A_46] : memref<16x192x128xi32, #tpu.memory_space<hbm>> -> memref<1x48x128xi32, #tpu.memory_space<hbm>>
      %dma_wait3A_48 = tpu.memref_squeeze %dma_wait3A_47 : memref<1x48x128xi32, #tpu.memory_space<hbm>> -> memref<48x128xi32, #tpu.memory_space<hbm>>
      tpu.wait_dma2 semaphore(%run_scoped3A : memref<!tpu.dma_semaphore, #tpu.memory_space<semaphore_mem>>) src(%dma_wait3A_48 : memref<48x128xi32, #tpu.memory_space<hbm>>) dst(%arg8 : memref<48x128xi32, #tpu.memory_space<vmem>>)
      tpu.yield
    }) : () -> ()
    %ge3A = arith.constant 1 : i32
    %ge3A_11 = arith.cmpi sge, %min3A_8, %ge3A : i32
    %convert_element_type3A = arith.extui %ge3A_11 : i1 to i32
    %cond3A = arith.constant 0 : i32
    %cond3A_12 = arith.cmpi ne, %convert_element_type3A, %cond3A : i32
    scf.if %cond3A_12 {
      %scan3A = arith.constant 0 : i32
      %scan3A_39 = arith.constant 8 : i32
      %scan3A_40 = arith.addi %scan3A, %scan3A_39 : i32
      %scan3A_41 = arith.constant 1 : i32
      scf.for %scan3A_54 = %scan3A to %scan3A_40 step %scan3A_41  : i32 {
        %mul3A_55 = arith.constant 1 : i32
        %mul3A_56 = arith.muli %scan3A_54, %mul3A_55 : i32
        %add3A_57 = arith.constant 0 : i32
        %add3A_58 = arith.addi %add3A_57, %mul3A_56 : i32
        %mul3A_59 = arith.constant 16 : i32
        %mul3A_60 = arith.muli %add3A_58, %mul3A_59 : i32
        %get3A = arith.constant 0 : i32
        %get3A_61 = arith.index_cast %get3A : i32 to index
        %get3A_62 = arith.index_cast %mul3A_60 : i32 to index
        %get3A_63 = tpu.vector_load %arg8[%get3A_61, %get3A_62] {strides = array<i32>} : memref<48x128xi32, #tpu.memory_space<vmem>>, vector<16xi32>,
        %and3A = arith.constant 16383 : i32
        %and3A_64 = vector.broadcast %and3A : i32 to vector<16xi32>
        %and3A_65 = arith.andi %get3A_63, %and3A_64 : vector<16xi32>
        %shift_right_logical3A = arith.constant 14 : i32
        %shift_right_logical3A_66 = vector.broadcast %shift_right_logical3A : i32 to vector<16xi32>
        %shift_right_logical3A_67 = arith.shrui %get3A_63, %shift_right_logical3A_66 : vector<16xi32>
        %mul3A_68 = arith.constant 16 : i32
        %mul3A_69 = arith.muli %add3A_58, %mul3A_68 : i32
        %swap3A = arith.constant 0 : i32
        %swap3A_70 = arith.index_cast %swap3A : i32 to index
        %swap3A_71 = arith.index_cast %mul3A_69 : i32 to index
        %swap3A_72 = tpu.vector_load %arg9[%swap3A_70, %swap3A_71] {strides = array<i32>} : memref<2x128xi32, #tpu.memory_space<vmem>>, vector<16xi32>,
        tpu.vector_store %arg9[%swap3A_70, %swap3A_71], %shift_right_logical3A_67 {strides = array<i32>} : memref<2x128xi32, #tpu.memory_space<vmem>>, vector<16xi32>,
        %mul3A_73 = arith.constant 16 : i32
        %mul3A_74 = arith.muli %add3A_58, %mul3A_73 : i32
        %swap3A_75 = arith.constant 0 : i32
        %swap3A_76 = arith.index_cast %swap3A_75 : i32 to index
        %swap3A_77 = arith.index_cast %mul3A_74 : i32 to index
        %swap3A_78 = tpu.vector_load %arg10[%swap3A_76, %swap3A_77] {strides = array<i32>} : memref<2x128xi32, #tpu.memory_space<vmem>>, vector<16xi32>,
        tpu.vector_store %arg10[%swap3A_76, %swap3A_77], %and3A_65 {strides = array<i32>} : memref<2x128xi32, #tpu.memory_space<vmem>>, vector<16xi32>,
        tpu.vector_store_idx %arg12[%and3A_65], %broadcast_in_dim3A_7 {add = true} : memref<10112xf32, #tpu.memory_space<vmem>>[vector<16xi32>], vector<16xf32>,
      }
      %scan3A_42 = arith.constant 8 : i32
      %dma_start3A = arith.constant 0 : i32
      %dma_start3A_43 = arith.constant 0 : i32
      %dma_start3A_44 = arith.constant 0 : i32
      %dma_start3A_45 = arith.constant 0 : i32
      %dma_start3A_46 = tpu.memref_slice %arg11[%dma_start3A_43, %dma_start3A_44, %dma_start3A_45] : memref<2x128x128xf32, #tpu.memory_space<vmem>> -> memref<1x128x128xf32, #tpu.memory_space<vmem>>
      %dma_start3A_47 = tpu.memref_squeeze %dma_start3A_46 : memref<1x128x128xf32, #tpu.memory_space<vmem>> -> memref<128x128xf32, #tpu.memory_space<vmem>>
      %dma_start3A_48 = arith.constant 0 : i32
      %dma_start3A_49 = tpu.memref_slice %arg9[%dma_start3A, %dma_start3A_48] : memref<2x128xi32, #tpu.memory_space<vmem>> -> memref<1x128xi32, #tpu.memory_space<vmem>>
      %dma_start3A_50 = tpu.memref_squeeze %dma_start3A_49 : memref<1x128xi32, #tpu.memory_space<vmem>> -> memref<128xi32, #tpu.memory_space<vmem>>
      %dma_start3A_51 = arith.constant 0 : i32
      %dma_start3A_52 = arith.constant 0 : i32
      %dma_start3A_53 = tpu.memref_slice %arg2[%dma_start3A_51, %dma_start3A_52] : memref<10000x128xf32, #tpu.memory_space<hbm>> -> memref<10000x128xf32, #tpu.memory_space<hbm>>
      tpu.enqueue_indirect_dma source(%dma_start3A_53 : memref<10000x128xf32, #tpu.memory_space<hbm>>) target(%dma_start3A_47 : memref<128x128xf32, #tpu.memory_space<vmem>>) offsets(%dma_start3A_50 : memref<128xi32, #tpu.memory_space<vmem>>) semaphore(%arg14 : memref<!tpu.dma_semaphore, #tpu.memory_space<semaphore_mem>>)
    } else {
    }
    %ge3A_13 = arith.constant 2 : i32
    %ge3A_14 = arith.cmpi sge, %min3A_8, %ge3A_13 : i32
    %convert_element_type3A_15 = arith.extui %ge3A_14 : i1 to i32
    %cond3A_16 = arith.constant 0 : i32
    %cond3A_17 = arith.cmpi ne, %convert_element_type3A_15, %cond3A_16 : i32
    scf.if %cond3A_17 {
      %scan3A = arith.constant 0 : i32
      %scan3A_39 = arith.constant 8 : i32
      %scan3A_40 = arith.addi %scan3A, %scan3A_39 : i32
      %scan3A_41 = arith.constant 1 : i32
      scf.for %scan3A_54 = %scan3A to %scan3A_40 step %scan3A_41  : i32 {
        %mul3A_55 = arith.constant 1 : i32
        %mul3A_56 = arith.muli %scan3A_54, %mul3A_55 : i32
        %add3A_57 = arith.constant 0 : i32
        %add3A_58 = arith.addi %add3A_57, %mul3A_56 : i32
        %mul3A_59 = arith.constant 16 : i32
        %mul3A_60 = arith.muli %add3A_58, %mul3A_59 : i32
        %get3A = arith.constant 1 : i32
        %get3A_61 = arith.index_cast %get3A : i32 to index
        %get3A_62 = arith.index_cast %mul3A_60 : i32 to index
        %get3A_63 = tpu.vector_load %arg8[%get3A_61, %get3A_62] {strides = array<i32>} : memref<48x128xi32, #tpu.memory_space<vmem>>, vector<16xi32>,
        %and3A = arith.constant 16383 : i32
        %and3A_64 = vector.broadcast %and3A : i32 to vector<16xi32>
        %and3A_65 = arith.andi %get3A_63, %and3A_64 : vector<16xi32>
        %shift_right_logical3A = arith.constant 14 : i32
        %shift_right_logical3A_66 = vector.broadcast %shift_right_logical3A : i32 to vector<16xi32>
        %shift_right_logical3A_67 = arith.shrui %get3A_63, %shift_right_logical3A_66 : vector<16xi32>
        %mul3A_68 = arith.constant 16 : i32
        %mul3A_69 = arith.muli %add3A_58, %mul3A_68 : i32
        %swap3A = arith.constant 1 : i32
        %swap3A_70 = arith.index_cast %swap3A : i32 to index
        %swap3A_71 = arith.index_cast %mul3A_69 : i32 to index
        %swap3A_72 = tpu.vector_load %arg9[%swap3A_70, %swap3A_71] {strides = array<i32>} : memref<2x128xi32, #tpu.memory_space<vmem>>, vector<16xi32>,
        tpu.vector_store %arg9[%swap3A_70, %swap3A_71], %shift_right_logical3A_67 {strides = array<i32>} : memref<2x128xi32, #tpu.memory_space<vmem>>, vector<16xi32>,
        %mul3A_73 = arith.constant 16 : i32
        %mul3A_74 = arith.muli %add3A_58, %mul3A_73 : i32
        %swap3A_75 = arith.constant 1 : i32
        %swap3A_76 = arith.index_cast %swap3A_75 : i32 to index
        %swap3A_77 = arith.index_cast %mul3A_74 : i32 to index
        %swap3A_78 = tpu.vector_load %arg10[%swap3A_76, %swap3A_77] {strides = array<i32>} : memref<2x128xi32, #tpu.memory_space<vmem>>, vector<16xi32>,
        tpu.vector_store %arg10[%swap3A_76, %swap3A_77], %and3A_65 {strides = array<i32>} : memref<2x128xi32, #tpu.memory_space<vmem>>, vector<16xi32>,
        tpu.vector_store_idx %arg12[%and3A_65], %broadcast_in_dim3A_7 {add = true} : memref<10112xf32, #tpu.memory_space<vmem>>[vector<16xi32>], vector<16xf32>,
      }
      %scan3A_42 = arith.constant 8 : i32
      %dma_start3A = arith.constant 1 : i32
      %dma_start3A_43 = arith.constant 1 : i32
      %dma_start3A_44 = arith.constant 0 : i32
      %dma_start3A_45 = arith.constant 0 : i32
      %dma_start3A_46 = tpu.memref_slice %arg11[%dma_start3A_43, %dma_start3A_44, %dma_start3A_45] : memref<2x128x128xf32, #tpu.memory_space<vmem>> -> memref<1x128x128xf32, #tpu.memory_space<vmem>>
      %dma_start3A_47 = tpu.memref_squeeze %dma_start3A_46 : memref<1x128x128xf32, #tpu.memory_space<vmem>> -> memref<128x128xf32, #tpu.memory_space<vmem>>
      %dma_start3A_48 = arith.constant 0 : i32
      %dma_start3A_49 = tpu.memref_slice %arg9[%dma_start3A, %dma_start3A_48] : memref<2x128xi32, #tpu.memory_space<vmem>> -> memref<1x128xi32, #tpu.memory_space<vmem>>
      %dma_start3A_50 = tpu.memref_squeeze %dma_start3A_49 : memref<1x128xi32, #tpu.memory_space<vmem>> -> memref<128xi32, #tpu.memory_space<vmem>>
      %dma_start3A_51 = arith.constant 0 : i32
      %dma_start3A_52 = arith.constant 0 : i32
      %dma_start3A_53 = tpu.memref_slice %arg2[%dma_start3A_51, %dma_start3A_52] : memref<10000x128xf32, #tpu.memory_space<hbm>> -> memref<10000x128xf32, #tpu.memory_space<hbm>>
      tpu.enqueue_indirect_dma source(%dma_start3A_53 : memref<10000x128xf32, #tpu.memory_space<hbm>>) target(%dma_start3A_47 : memref<128x128xf32, #tpu.memory_space<vmem>>) offsets(%dma_start3A_50 : memref<128xi32, #tpu.memory_space<vmem>>) semaphore(%arg15 : memref<!tpu.dma_semaphore, #tpu.memory_space<semaphore_mem>>)
    } else {
    }
    %sub3A = arith.constant 0 : i32
    %sub3A_18 = arith.subi %min3A_8, %sub3A : i32
    %sub3A_19 = arith.constant 2 : i32
    %sub3A_20 = arith.constant 1 : i32
    %sub3A_21 = arith.subi %sub3A_19, %sub3A_20 : i32
    %add3A_22 = arith.addi %sub3A_18, %sub3A_21 : i32
    %div3A = arith.constant 2 : i32
    %div3A_23 = arith.divsi %add3A_22, %div3A : i32
    %while3A = arith.constant 2 : i32
    %while3A_24 = arith.constant 0 : i32
    %while3A_25 = arith.constant 0 : i32
    %while3A_26 = arith.subi %div3A_23, %while3A_25 : i32
    %while3A_27 = arith.addi %while3A_25, %while3A_26 : i32
    %while3A_28 = arith.constant 1 : i32
    %while3A_29 = arith.divsi %while3A_26, %while3A_28 : i32
    %while3A_30 = arith.muli %while3A_29, %while3A_28 : i32
    %while3A_31 = arith.addi %while3A_25, %while3A_30 : i32
    %while3A_32 = arith.constant 1 : i32
    scf.for %while3A_39 = %while3A_25 to %while3A_31 step %while3A_32  : i32 {
      %mul3A_40 = arith.muli %while3A_39, %while3A : i32
      %add3A_41 = arith.addi %while3A_24, %mul3A_40 : i32
      %dma_wait3A = arith.constant 0 : i32
      %dma_wait3A_42 = arith.constant 0 : i32
      %dma_wait3A_43 = arith.constant 0 : i32
      %dma_wait3A_44 = arith.constant 0 : i32
      %dma_wait3A_45 = tpu.memref_slice %arg11[%dma_wait3A_42, %dma_wait3A_43, %dma_wait3A_44] : memref<2x128x128xf32, #tpu.memory_space<vmem>> -> memref<1x128x128xf32, #tpu.memory_space<vmem>>
      %dma_wait3A_46 = tpu.memref_squeeze %dma_wait3A_45 : memref<1x128x128xf32, #tpu.memory_space<vmem>> -> memref<128x128xf32, #tpu.memory_space<vmem>>
      %dma_wait3A_47 = arith.constant 0 : i32
      %dma_wait3A_48 = tpu.memref_slice %arg9[%dma_wait3A, %dma_wait3A_47] : memref<2x128xi32, #tpu.memory_space<vmem>> -> memref<1x128xi32, #tpu.memory_space<vmem>>
      %dma_wait3A_49 = tpu.memref_squeeze %dma_wait3A_48 : memref<1x128xi32, #tpu.memory_space<vmem>> -> memref<128xi32, #tpu.memory_space<vmem>>
      %dma_wait3A_50 = arith.constant 0 : i32
      %dma_wait3A_51 = arith.constant 0 : i32
      %dma_wait3A_52 = tpu.memref_slice %arg2[%dma_wait3A_50, %dma_wait3A_51] : memref<10000x128xf32, #tpu.memory_space<hbm>> -> memref<10000x128xf32, #tpu.memory_space<hbm>>
      tpu.wait_indirect_dma semaphore(%arg14 : memref<!tpu.dma_semaphore, #tpu.memory_space<semaphore_mem>>) src(%dma_wait3A_52 : memref<10000x128xf32, #tpu.memory_space<hbm>>) dst(%dma_wait3A_46 : memref<128x128xf32, #tpu.memory_space<vmem>>)
      %run_scoped3A = arith.constant 0 : i32
      %run_scoped3A_53 = arith.constant 0 : i32
      "tpu.region"() ({
        %run_scoped3A_71 = tpu.sem_alloc : memref<!tpu.dma_semaphore, #tpu.memory_space<semaphore_mem>>
        %dma_start3A = arith.constant 0 : i32
        %dma_start3A_72 = arith.constant 0 : i32
        %dma_start3A_73 = tpu.memref_slice %arg11[%run_scoped3A, %dma_start3A, %dma_start3A_72] : memref<2x128x128xf32, #tpu.memory_space<vmem>> -> memref<1x128x128xf32, #tpu.memory_space<vmem>>
        %dma_start3A_74 = tpu.memref_squeeze %dma_start3A_73 : memref<1x128x128xf32, #tpu.memory_space<vmem>> -> memref<128x128xf32, #tpu.memory_space<vmem>>
        %dma_start3A_75 = arith.constant 0 : i32
        %dma_start3A_76 = tpu.memref_slice %arg10[%run_scoped3A_53, %dma_start3A_75] : memref<2x128xi32, #tpu.memory_space<vmem>> -> memref<1x128xi32, #tpu.memory_space<vmem>>
        %dma_start3A_77 = tpu.memref_squeeze %dma_start3A_76 : memref<1x128xi32, #tpu.memory_space<vmem>> -> memref<128xi32, #tpu.memory_space<vmem>>
        %dma_start3A_78 = arith.constant 0 : i32
        %dma_start3A_79 = arith.constant 0 : i32
        %dma_start3A_80 = tpu.memref_slice %arg13[%dma_start3A_78, %dma_start3A_79] : memref<10112x128xf32, #tpu.memory_space<vmem_shared>> -> memref<10112x128xf32, #tpu.memory_space<vmem_shared>>
        tpu.enqueue_indirect_dma source(%dma_start3A_74 : memref<128x128xf32, #tpu.memory_space<vmem>>) target(%dma_start3A_80 : memref<10112x128xf32, #tpu.memory_space<vmem_shared>>) offsets(%dma_start3A_77 : memref<128xi32, #tpu.memory_space<vmem>>) semaphore(%run_scoped3A_71 : memref<!tpu.dma_semaphore, #tpu.memory_space<semaphore_mem>>) {add = true}
        %dma_wait3A_81 = arith.constant 0 : i32
        %dma_wait3A_82 = arith.constant 0 : i32
        %dma_wait3A_83 = tpu.memref_slice %arg11[%run_scoped3A, %dma_wait3A_81, %dma_wait3A_82] : memref<2x128x128xf32, #tpu.memory_space<vmem>> -> memref<1x128x128xf32, #tpu.memory_space<vmem>>
        %dma_wait3A_84 = tpu.memref_squeeze %dma_wait3A_83 : memref<1x128x128xf32, #tpu.memory_space<vmem>> -> memref<128x128xf32, #tpu.memory_space<vmem>>
        %dma_wait3A_85 = arith.constant 0 : i32
        %dma_wait3A_86 = tpu.memref_slice %arg10[%run_scoped3A_53, %dma_wait3A_85] : memref<2x128xi32, #tpu.memory_space<vmem>> -> memref<1x128xi32, #tpu.memory_space<vmem>>
        %dma_wait3A_87 = tpu.memref_squeeze %dma_wait3A_86 : memref<1x128xi32, #tpu.memory_space<vmem>> -> memref<128xi32, #tpu.memory_space<vmem>>
        %dma_wait3A_88 = arith.constant 0 : i32
        %dma_wait3A_89 = arith.constant 0 : i32
        %dma_wait3A_90 = tpu.memref_slice %arg13[%dma_wait3A_88, %dma_wait3A_89] : memref<10112x128xf32, #tpu.memory_space<vmem_shared>> -> memref<10112x128xf32, #tpu.memory_space<vmem_shared>>
        tpu.wait_indirect_dma semaphore(%run_scoped3A_71 : memref<!tpu.dma_semaphore, #tpu.memory_space<semaphore_mem>>) src(%dma_wait3A_84 : memref<128x128xf32, #tpu.memory_space<vmem>>) dst(%dma_wait3A_90 : memref<10112x128xf32, #tpu.memory_space<vmem_shared>>)
        tpu.yield
      }) : () -> ()
      %add3A_54 = arith.constant 2 : i32
      %add3A_55 = arith.addi %add3A_41, %add3A_54 : i32
      %lt3A = arith.cmpi slt, %add3A_55, %min3A_8 : i32
      %convert_element_type3A_56 = arith.extui %lt3A : i1 to i32
      %cond3A_57 = arith.constant 0 : i32
      %cond3A_58 = arith.cmpi ne, %convert_element_type3A_56, %cond3A_57 : i32
      scf.if %cond3A_58 {
        %add3A_71 = arith.constant 2 : i32
        %add3A_72 = arith.addi %add3A_41, %add3A_71 : i32
        %scan3A = arith.constant 0 : i32
        %scan3A_73 = arith.constant 8 : i32
        %scan3A_74 = arith.addi %scan3A, %scan3A_73 : i32
        %scan3A_75 = arith.constant 1 : i32
        scf.for %scan3A_88 = %scan3A to %scan3A_74 step %scan3A_75  : i32 {
          %mul3A_89 = arith.constant 1 : i32
          %mul3A_90 = arith.muli %scan3A_88, %mul3A_89 : i32
          %add3A_91 = arith.constant 0 : i32
          %add3A_92 = arith.addi %add3A_91, %mul3A_90 : i32
          %mul3A_93 = arith.constant 16 : i32
          %mul3A_94 = arith.muli %add3A_92, %mul3A_93 : i32
          %get3A = arith.index_cast %add3A_72 : i32 to index
          %get3A_95 = arith.index_cast %mul3A_94 : i32 to index
          %get3A_96 = tpu.vector_load %arg8[%get3A, %get3A_95] {strides = array<i32>} : memref<48x128xi32, #tpu.memory_space<vmem>>, vector<16xi32>,
          %and3A = arith.constant 16383 : i32
          %and3A_97 = vector.broadcast %and3A : i32 to vector<16xi32>
          %and3A_98 = arith.andi %get3A_96, %and3A_97 : vector<16xi32>
          %shift_right_logical3A = arith.constant 14 : i32
          %shift_right_logical3A_99 = vector.broadcast %shift_right_logical3A : i32 to vector<16xi32>
          %shift_right_logical3A_100 = arith.shrui %get3A_96, %shift_right_logical3A_99 : vector<16xi32>
          %mul3A_101 = arith.constant 16 : i32
          %mul3A_102 = arith.muli %add3A_92, %mul3A_101 : i32
          %swap3A = arith.constant 0 : i32
          %swap3A_103 = arith.index_cast %swap3A : i32 to index
          %swap3A_104 = arith.index_cast %mul3A_102 : i32 to index
          %swap3A_105 = tpu.vector_load %arg9[%swap3A_103, %swap3A_104] {strides = array<i32>} : memref<2x128xi32, #tpu.memory_space<vmem>>, vector<16xi32>,
          tpu.vector_store %arg9[%swap3A_103, %swap3A_104], %shift_right_logical3A_100 {strides = array<i32>} : memref<2x128xi32, #tpu.memory_space<vmem>>, vector<16xi32>,
          %mul3A_106 = arith.constant 16 : i32
          %mul3A_107 = arith.muli %add3A_92, %mul3A_106 : i32
          %swap3A_108 = arith.constant 0 : i32
          %swap3A_109 = arith.index_cast %swap3A_108 : i32 to index
          %swap3A_110 = arith.index_cast %mul3A_107 : i32 to index
          %swap3A_111 = tpu.vector_load %arg10[%swap3A_109, %swap3A_110] {strides = array<i32>} : memref<2x128xi32, #tpu.memory_space<vmem>>, vector<16xi32>,
          tpu.vector_store %arg10[%swap3A_109, %swap3A_110], %and3A_98 {strides = array<i32>} : memref<2x128xi32, #tpu.memory_space<vmem>>, vector<16xi32>,
          tpu.vector_store_idx %arg12[%and3A_98], %broadcast_in_dim3A_7 {add = true} : memref<10112xf32, #tpu.memory_space<vmem>>[vector<16xi32>], vector<16xf32>,
        }
        %scan3A_76 = arith.constant 8 : i32
        %dma_start3A = arith.constant 0 : i32
        %dma_start3A_77 = arith.constant 0 : i32
        %dma_start3A_78 = arith.constant 0 : i32
        %dma_start3A_79 = arith.constant 0 : i32
        %dma_start3A_80 = tpu.memref_slice %arg11[%dma_start3A_77, %dma_start3A_78, %dma_start3A_79] : memref<2x128x128xf32, #tpu.memory_space<vmem>> -> memref<1x128x128xf32, #tpu.memory_space<vmem>>
        %dma_start3A_81 = tpu.memref_squeeze %dma_start3A_80 : memref<1x128x128xf32, #tpu.memory_space<vmem>> -> memref<128x128xf32, #tpu.memory_space<vmem>>
        %dma_start3A_82 = arith.constant 0 : i32
        %dma_start3A_83 = tpu.memref_slice %arg9[%dma_start3A, %dma_start3A_82] : memref<2x128xi32, #tpu.memory_space<vmem>> -> memref<1x128xi32, #tpu.memory_space<vmem>>
        %dma_start3A_84 = tpu.memref_squeeze %dma_start3A_83 : memref<1x128xi32, #tpu.memory_space<vmem>> -> memref<128xi32, #tpu.memory_space<vmem>>
        %dma_start3A_85 = arith.constant 0 : i32
        %dma_start3A_86 = arith.constant 0 : i32
        %dma_start3A_87 = tpu.memref_slice %arg2[%dma_start3A_85, %dma_start3A_86] : memref<10000x128xf32, #tpu.memory_space<hbm>> -> memref<10000x128xf32, #tpu.memory_space<hbm>>
        tpu.enqueue_indirect_dma source(%dma_start3A_87 : memref<10000x128xf32, #tpu.memory_space<hbm>>) target(%dma_start3A_81 : memref<128x128xf32, #tpu.memory_space<vmem>>) offsets(%dma_start3A_84 : memref<128xi32, #tpu.memory_space<vmem>>) semaphore(%arg14 : memref<!tpu.dma_semaphore, #tpu.memory_space<semaphore_mem>>)
      } else {
      }
      %add3A_59 = arith.constant 1 : i32
      %add3A_60 = arith.addi %add3A_41, %add3A_59 : i32
      %lt3A_61 = arith.cmpi slt, %add3A_60, %min3A_8 : i32
      %convert_element_type3A_62 = arith.extui %lt3A_61 : i1 to i32
      %cond3A_63 = arith.constant 0 : i32
      %cond3A_64 = arith.cmpi ne, %convert_element_type3A_62, %cond3A_63 : i32
      scf.if %cond3A_64 {
        %dma_wait3A_71 = arith.constant 1 : i32
        %dma_wait3A_72 = arith.constant 1 : i32
        %dma_wait3A_73 = arith.constant 0 : i32
        %dma_wait3A_74 = arith.constant 0 : i32
        %dma_wait3A_75 = tpu.memref_slice %arg11[%dma_wait3A_72, %dma_wait3A_73, %dma_wait3A_74] : memref<2x128x128xf32, #tpu.memory_space<vmem>> -> memref<1x128x128xf32, #tpu.memory_space<vmem>>
        %dma_wait3A_76 = tpu.memref_squeeze %dma_wait3A_75 : memref<1x128x128xf32, #tpu.memory_space<vmem>> -> memref<128x128xf32, #tpu.memory_space<vmem>>
        %dma_wait3A_77 = arith.constant 0 : i32
        %dma_wait3A_78 = tpu.memref_slice %arg9[%dma_wait3A_71, %dma_wait3A_77] : memref<2x128xi32, #tpu.memory_space<vmem>> -> memref<1x128xi32, #tpu.memory_space<vmem>>
        %dma_wait3A_79 = tpu.memref_squeeze %dma_wait3A_78 : memref<1x128xi32, #tpu.memory_space<vmem>> -> memref<128xi32, #tpu.memory_space<vmem>>
        %dma_wait3A_80 = arith.constant 0 : i32
        %dma_wait3A_81 = arith.constant 0 : i32
        %dma_wait3A_82 = tpu.memref_slice %arg2[%dma_wait3A_80, %dma_wait3A_81] : memref<10000x128xf32, #tpu.memory_space<hbm>> -> memref<10000x128xf32, #tpu.memory_space<hbm>>
        tpu.wait_indirect_dma semaphore(%arg15 : memref<!tpu.dma_semaphore, #tpu.memory_space<semaphore_mem>>) src(%dma_wait3A_82 : memref<10000x128xf32, #tpu.memory_space<hbm>>) dst(%dma_wait3A_76 : memref<128x128xf32, #tpu.memory_space<vmem>>)
        %run_scoped3A_83 = arith.constant 1 : i32
        %run_scoped3A_84 = arith.constant 1 : i32
        "tpu.region"() ({
          %run_scoped3A_85 = tpu.sem_alloc : memref<!tpu.dma_semaphore, #tpu.memory_space<semaphore_mem>>
          %dma_start3A = arith.constant 0 : i32
          %dma_start3A_86 = arith.constant 0 : i32
          %dma_start3A_87 = tpu.memref_slice %arg11[%run_scoped3A_83, %dma_start3A, %dma_start3A_86] : memref<2x128x128xf32, #tpu.memory_space<vmem>> -> memref<1x128x128xf32, #tpu.memory_space<vmem>>
          %dma_start3A_88 = tpu.memref_squeeze %dma_start3A_87 : memref<1x128x128xf32, #tpu.memory_space<vmem>> -> memref<128x128xf32, #tpu.memory_space<vmem>>
          %dma_start3A_89 = arith.constant 0 : i32
          %dma_start3A_90 = tpu.memref_slice %arg10[%run_scoped3A_84, %dma_start3A_89] : memref<2x128xi32, #tpu.memory_space<vmem>> -> memref<1x128xi32, #tpu.memory_space<vmem>>
          %dma_start3A_91 = tpu.memref_squeeze %dma_start3A_90 : memref<1x128xi32, #tpu.memory_space<vmem>> -> memref<128xi32, #tpu.memory_space<vmem>>
          %dma_start3A_92 = arith.constant 0 : i32
          %dma_start3A_93 = arith.constant 0 : i32
          %dma_start3A_94 = tpu.memref_slice %arg13[%dma_start3A_92, %dma_start3A_93] : memref<10112x128xf32, #tpu.memory_space<vmem_shared>> -> memref<10112x128xf32, #tpu.memory_space<vmem_shared>>
          tpu.enqueue_indirect_dma source(%dma_start3A_88 : memref<128x128xf32, #tpu.memory_space<vmem>>) target(%dma_start3A_94 : memref<10112x128xf32, #tpu.memory_space<vmem_shared>>) offsets(%dma_start3A_91 : memref<128xi32, #tpu.memory_space<vmem>>) semaphore(%run_scoped3A_85 : memref<!tpu.dma_semaphore, #tpu.memory_space<semaphore_mem>>) {add = true}
          %dma_wait3A_95 = arith.constant 0 : i32
          %dma_wait3A_96 = arith.constant 0 : i32
          %dma_wait3A_97 = tpu.memref_slice %arg11[%run_scoped3A_83, %dma_wait3A_95, %dma_wait3A_96] : memref<2x128x128xf32, #tpu.memory_space<vmem>> -> memref<1x128x128xf32, #tpu.memory_space<vmem>>
          %dma_wait3A_98 = tpu.memref_squeeze %dma_wait3A_97 : memref<1x128x128xf32, #tpu.memory_space<vmem>> -> memref<128x128xf32, #tpu.memory_space<vmem>>
          %dma_wait3A_99 = arith.constant 0 : i32
          %dma_wait3A_100 = tpu.memref_slice %arg10[%run_scoped3A_84, %dma_wait3A_99] : memref<2x128xi32, #tpu.memory_space<vmem>> -> memref<1x128xi32, #tpu.memory_space<vmem>>
          %dma_wait3A_101 = tpu.memref_squeeze %dma_wait3A_100 : memref<1x128xi32, #tpu.memory_space<vmem>> -> memref<128xi32, #tpu.memory_space<vmem>>
          %dma_wait3A_102 = arith.constant 0 : i32
          %dma_wait3A_103 = arith.constant 0 : i32
          %dma_wait3A_104 = tpu.memref_slice %arg13[%dma_wait3A_102, %dma_wait3A_103] : memref<10112x128xf32, #tpu.memory_space<vmem_shared>> -> memref<10112x128xf32, #tpu.memory_space<vmem_shared>>
          tpu.wait_indirect_dma semaphore(%run_scoped3A_85 : memref<!tpu.dma_semaphore, #tpu.memory_space<semaphore_mem>>) src(%dma_wait3A_98 : memref<128x128xf32, #tpu.memory_space<vmem>>) dst(%dma_wait3A_104 : memref<10112x128xf32, #tpu.memory_space<vmem_shared>>)
          tpu.yield
        }) : () -> ()
      } else {
      }
      %add3A_65 = arith.constant 3 : i32
      %add3A_66 = arith.addi %add3A_41, %add3A_65 : i32
      %lt3A_67 = arith.cmpi slt, %add3A_66, %min3A_8 : i32
      %convert_element_type3A_68 = arith.extui %lt3A_67 : i1 to i32
      %cond3A_69 = arith.constant 0 : i32
      %cond3A_70 = arith.cmpi ne, %convert_element_type3A_68, %cond3A_69 : i32
      scf.if %cond3A_70 {
        %add3A_71 = arith.constant 3 : i32
        %add3A_72 = arith.addi %add3A_41, %add3A_71 : i32
        %scan3A = arith.constant 0 : i32
        %scan3A_73 = arith.constant 8 : i32
        %scan3A_74 = arith.addi %scan3A, %scan3A_73 : i32
        %scan3A_75 = arith.constant 1 : i32
        scf.for %scan3A_88 = %scan3A to %scan3A_74 step %scan3A_75  : i32 {
          %mul3A_89 = arith.constant 1 : i32
          %mul3A_90 = arith.muli %scan3A_88, %mul3A_89 : i32
          %add3A_91 = arith.constant 0 : i32
          %add3A_92 = arith.addi %add3A_91, %mul3A_90 : i32
          %mul3A_93 = arith.constant 16 : i32
          %mul3A_94 = arith.muli %add3A_92, %mul3A_93 : i32
          %get3A = arith.index_cast %add3A_72 : i32 to index
          %get3A_95 = arith.index_cast %mul3A_94 : i32 to index
          %get3A_96 = tpu.vector_load %arg8[%get3A, %get3A_95] {strides = array<i32>} : memref<48x128xi32, #tpu.memory_space<vmem>>, vector<16xi32>,
          %and3A = arith.constant 16383 : i32
          %and3A_97 = vector.broadcast %and3A : i32 to vector<16xi32>
          %and3A_98 = arith.andi %get3A_96, %and3A_97 : vector<16xi32>
          %shift_right_logical3A = arith.constant 14 : i32
          %shift_right_logical3A_99 = vector.broadcast %shift_right_logical3A : i32 to vector<16xi32>
          %shift_right_logical3A_100 = arith.shrui %get3A_96, %shift_right_logical3A_99 : vector<16xi32>
          %mul3A_101 = arith.constant 16 : i32
          %mul3A_102 = arith.muli %add3A_92, %mul3A_101 : i32
          %swap3A = arith.constant 1 : i32
          %swap3A_103 = arith.index_cast %swap3A : i32 to index
          %swap3A_104 = arith.index_cast %mul3A_102 : i32 to index
          %swap3A_105 = tpu.vector_load %arg9[%swap3A_103, %swap3A_104] {strides = array<i32>} : memref<2x128xi32, #tpu.memory_space<vmem>>, vector<16xi32>,
          tpu.vector_store %arg9[%swap3A_103, %swap3A_104], %shift_right_logical3A_100 {strides = array<i32>} : memref<2x128xi32, #tpu.memory_space<vmem>>, vector<16xi32>,
          %mul3A_106 = arith.constant 16 : i32
          %mul3A_107 = arith.muli %add3A_92, %mul3A_106 : i32
          %swap3A_108 = arith.constant 1 : i32
          %swap3A_109 = arith.index_cast %swap3A_108 : i32 to index
          %swap3A_110 = arith.index_cast %mul3A_107 : i32 to index
          %swap3A_111 = tpu.vector_load %arg10[%swap3A_109, %swap3A_110] {strides = array<i32>} : memref<2x128xi32, #tpu.memory_space<vmem>>, vector<16xi32>,
          tpu.vector_store %arg10[%swap3A_109, %swap3A_110], %and3A_98 {strides = array<i32>} : memref<2x128xi32, #tpu.memory_space<vmem>>, vector<16xi32>,
          tpu.vector_store_idx %arg12[%and3A_98], %broadcast_in_dim3A_7 {add = true} : memref<10112xf32, #tpu.memory_space<vmem>>[vector<16xi32>], vector<16xf32>,
        }
        %scan3A_76 = arith.constant 8 : i32
        %dma_start3A = arith.constant 1 : i32
        %dma_start3A_77 = arith.constant 1 : i32
        %dma_start3A_78 = arith.constant 0 : i32
        %dma_start3A_79 = arith.constant 0 : i32
        %dma_start3A_80 = tpu.memref_slice %arg11[%dma_start3A_77, %dma_start3A_78, %dma_start3A_79] : memref<2x128x128xf32, #tpu.memory_space<vmem>> -> memref<1x128x128xf32, #tpu.memory_space<vmem>>
        %dma_start3A_81 = tpu.memref_squeeze %dma_start3A_80 : memref<1x128x128xf32, #tpu.memory_space<vmem>> -> memref<128x128xf32, #tpu.memory_space<vmem>>
        %dma_start3A_82 = arith.constant 0 : i32
        %dma_start3A_83 = tpu.memref_slice %arg9[%dma_start3A, %dma_start3A_82] : memref<2x128xi32, #tpu.memory_space<vmem>> -> memref<1x128xi32, #tpu.memory_space<vmem>>
        %dma_start3A_84 = tpu.memref_squeeze %dma_start3A_83 : memref<1x128xi32, #tpu.memory_space<vmem>> -> memref<128xi32, #tpu.memory_space<vmem>>
        %dma_start3A_85 = arith.constant 0 : i32
        %dma_start3A_86 = arith.constant 0 : i32
        %dma_start3A_87 = tpu.memref_slice %arg2[%dma_start3A_85, %dma_start3A_86] : memref<10000x128xf32, #tpu.memory_space<hbm>> -> memref<10000x128xf32, #tpu.memory_space<hbm>>
        tpu.enqueue_indirect_dma source(%dma_start3A_87 : memref<10000x128xf32, #tpu.memory_space<hbm>>) target(%dma_start3A_81 : memref<128x128xf32, #tpu.memory_space<vmem>>) offsets(%dma_start3A_84 : memref<128xi32, #tpu.memory_space<vmem>>) semaphore(%arg15 : memref<!tpu.dma_semaphore, #tpu.memory_space<semaphore_mem>>)
      } else {
      }
    }
    %while3A_33 = arith.constant 1 : i32
    scf.for %while3A_39 = %while3A_31 to %while3A_27 step %while3A_33  : i32 {
      %mul3A_40 = arith.muli %while3A_39, %while3A : i32
      %add3A_41 = arith.addi %while3A_24, %mul3A_40 : i32
      %dma_wait3A = arith.constant 0 : i32
      %dma_wait3A_42 = arith.constant 0 : i32
      %dma_wait3A_43 = arith.constant 0 : i32
      %dma_wait3A_44 = arith.constant 0 : i32
      %dma_wait3A_45 = tpu.memref_slice %arg11[%dma_wait3A_42, %dma_wait3A_43, %dma_wait3A_44] : memref<2x128x128xf32, #tpu.memory_space<vmem>> -> memref<1x128x128xf32, #tpu.memory_space<vmem>>
      %dma_wait3A_46 = tpu.memref_squeeze %dma_wait3A_45 : memref<1x128x128xf32, #tpu.memory_space<vmem>> -> memref<128x128xf32, #tpu.memory_space<vmem>>
      %dma_wait3A_47 = arith.constant 0 : i32
      %dma_wait3A_48 = tpu.memref_slice %arg9[%dma_wait3A, %dma_wait3A_47] : memref<2x128xi32, #tpu.memory_space<vmem>> -> memref<1x128xi32, #tpu.memory_space<vmem>>
      %dma_wait3A_49 = tpu.memref_squeeze %dma_wait3A_48 : memref<1x128xi32, #tpu.memory_space<vmem>> -> memref<128xi32, #tpu.memory_space<vmem>>
      %dma_wait3A_50 = arith.constant 0 : i32
      %dma_wait3A_51 = arith.constant 0 : i32
      %dma_wait3A_52 = tpu.memref_slice %arg2[%dma_wait3A_50, %dma_wait3A_51] : memref<10000x128xf32, #tpu.memory_space<hbm>> -> memref<10000x128xf32, #tpu.memory_space<hbm>>
      tpu.wait_indirect_dma semaphore(%arg14 : memref<!tpu.dma_semaphore, #tpu.memory_space<semaphore_mem>>) src(%dma_wait3A_52 : memref<10000x128xf32, #tpu.memory_space<hbm>>) dst(%dma_wait3A_46 : memref<128x128xf32, #tpu.memory_space<vmem>>)
      %run_scoped3A = arith.constant 0 : i32
      %run_scoped3A_53 = arith.constant 0 : i32
      "tpu.region"() ({
        %run_scoped3A_71 = tpu.sem_alloc : memref<!tpu.dma_semaphore, #tpu.memory_space<semaphore_mem>>
        %dma_start3A = arith.constant 0 : i32
        %dma_start3A_72 = arith.constant 0 : i32
        %dma_start3A_73 = tpu.memref_slice %arg11[%run_scoped3A, %dma_start3A, %dma_start3A_72] : memref<2x128x128xf32, #tpu.memory_space<vmem>> -> memref<1x128x128xf32, #tpu.memory_space<vmem>>
        %dma_start3A_74 = tpu.memref_squeeze %dma_start3A_73 : memref<1x128x128xf32, #tpu.memory_space<vmem>> -> memref<128x128xf32, #tpu.memory_space<vmem>>
        %dma_start3A_75 = arith.constant 0 : i32
        %dma_start3A_76 = tpu.memref_slice %arg10[%run_scoped3A_53, %dma_start3A_75] : memref<2x128xi32, #tpu.memory_space<vmem>> -> memref<1x128xi32, #tpu.memory_space<vmem>>
        %dma_start3A_77 = tpu.memref_squeeze %dma_start3A_76 : memref<1x128xi32, #tpu.memory_space<vmem>> -> memref<128xi32, #tpu.memory_space<vmem>>
        %dma_start3A_78 = arith.constant 0 : i32
        %dma_start3A_79 = arith.constant 0 : i32
        %dma_start3A_80 = tpu.memref_slice %arg13[%dma_start3A_78, %dma_start3A_79] : memref<10112x128xf32, #tpu.memory_space<vmem_shared>> -> memref<10112x128xf32, #tpu.memory_space<vmem_shared>>
        tpu.enqueue_indirect_dma source(%dma_start3A_74 : memref<128x128xf32, #tpu.memory_space<vmem>>) target(%dma_start3A_80 : memref<10112x128xf32, #tpu.memory_space<vmem_shared>>) offsets(%dma_start3A_77 : memref<128xi32, #tpu.memory_space<vmem>>) semaphore(%run_scoped3A_71 : memref<!tpu.dma_semaphore, #tpu.memory_space<semaphore_mem>>) {add = true}
        %dma_wait3A_81 = arith.constant 0 : i32
        %dma_wait3A_82 = arith.constant 0 : i32
        %dma_wait3A_83 = tpu.memref_slice %arg11[%run_scoped3A, %dma_wait3A_81, %dma_wait3A_82] : memref<2x128x128xf32, #tpu.memory_space<vmem>> -> memref<1x128x128xf32, #tpu.memory_space<vmem>>
        %dma_wait3A_84 = tpu.memref_squeeze %dma_wait3A_83 : memref<1x128x128xf32, #tpu.memory_space<vmem>> -> memref<128x128xf32, #tpu.memory_space<vmem>>
        %dma_wait3A_85 = arith.constant 0 : i32
        %dma_wait3A_86 = tpu.memref_slice %arg10[%run_scoped3A_53, %dma_wait3A_85] : memref<2x128xi32, #tpu.memory_space<vmem>> -> memref<1x128xi32, #tpu.memory_space<vmem>>
        %dma_wait3A_87 = tpu.memref_squeeze %dma_wait3A_86 : memref<1x128xi32, #tpu.memory_space<vmem>> -> memref<128xi32, #tpu.memory_space<vmem>>
        %dma_wait3A_88 = arith.constant 0 : i32
        %dma_wait3A_89 = arith.constant 0 : i32
        %dma_wait3A_90 = tpu.memref_slice %arg13[%dma_wait3A_88, %dma_wait3A_89] : memref<10112x128xf32, #tpu.memory_space<vmem_shared>> -> memref<10112x128xf32, #tpu.memory_space<vmem_shared>>
        tpu.wait_indirect_dma semaphore(%run_scoped3A_71 : memref<!tpu.dma_semaphore, #tpu.memory_space<semaphore_mem>>) src(%dma_wait3A_84 : memref<128x128xf32, #tpu.memory_space<vmem>>) dst(%dma_wait3A_90 : memref<10112x128xf32, #tpu.memory_space<vmem_shared>>)
        tpu.yield
      }) : () -> ()
      %add3A_54 = arith.constant 2 : i32
      %add3A_55 = arith.addi %add3A_41, %add3A_54 : i32
      %lt3A = arith.cmpi slt, %add3A_55, %min3A_8 : i32
      %convert_element_type3A_56 = arith.extui %lt3A : i1 to i32
      %cond3A_57 = arith.constant 0 : i32
      %cond3A_58 = arith.cmpi ne, %convert_element_type3A_56, %cond3A_57 : i32
      scf.if %cond3A_58 {
        %add3A_71 = arith.constant 2 : i32
        %add3A_72 = arith.addi %add3A_41, %add3A_71 : i32
        %scan3A = arith.constant 0 : i32
        %scan3A_73 = arith.constant 8 : i32
        %scan3A_74 = arith.addi %scan3A, %scan3A_73 : i32
        %scan3A_75 = arith.constant 1 : i32
        scf.for %scan3A_88 = %scan3A to %scan3A_74 step %scan3A_75  : i32 {
          %mul3A_89 = arith.constant 1 : i32
          %mul3A_90 = arith.muli %scan3A_88, %mul3A_89 : i32
          %add3A_91 = arith.constant 0 : i32
          %add3A_92 = arith.addi %add3A_91, %mul3A_90 : i32
          %mul3A_93 = arith.constant 16 : i32
          %mul3A_94 = arith.muli %add3A_92, %mul3A_93 : i32
          %get3A = arith.index_cast %add3A_72 : i32 to index
          %get3A_95 = arith.index_cast %mul3A_94 : i32 to index
          %get3A_96 = tpu.vector_load %arg8[%get3A, %get3A_95] {strides = array<i32>} : memref<48x128xi32, #tpu.memory_space<vmem>>, vector<16xi32>,
          %and3A = arith.constant 16383 : i32
          %and3A_97 = vector.broadcast %and3A : i32 to vector<16xi32>
          %and3A_98 = arith.andi %get3A_96, %and3A_97 : vector<16xi32>
          %shift_right_logical3A = arith.constant 14 : i32
          %shift_right_logical3A_99 = vector.broadcast %shift_right_logical3A : i32 to vector<16xi32>
          %shift_right_logical3A_100 = arith.shrui %get3A_96, %shift_right_logical3A_99 : vector<16xi32>
          %mul3A_101 = arith.constant 16 : i32
          %mul3A_102 = arith.muli %add3A_92, %mul3A_101 : i32
          %swap3A = arith.constant 0 : i32
          %swap3A_103 = arith.index_cast %swap3A : i32 to index
          %swap3A_104 = arith.index_cast %mul3A_102 : i32 to index
          %swap3A_105 = tpu.vector_load %arg9[%swap3A_103, %swap3A_104] {strides = array<i32>} : memref<2x128xi32, #tpu.memory_space<vmem>>, vector<16xi32>,
          tpu.vector_store %arg9[%swap3A_103, %swap3A_104], %shift_right_logical3A_100 {strides = array<i32>} : memref<2x128xi32, #tpu.memory_space<vmem>>, vector<16xi32>,
          %mul3A_106 = arith.constant 16 : i32
          %mul3A_107 = arith.muli %add3A_92, %mul3A_106 : i32
          %swap3A_108 = arith.constant 0 : i32
          %swap3A_109 = arith.index_cast %swap3A_108 : i32 to index
          %swap3A_110 = arith.index_cast %mul3A_107 : i32 to index
          %swap3A_111 = tpu.vector_load %arg10[%swap3A_109, %swap3A_110] {strides = array<i32>} : memref<2x128xi32, #tpu.memory_space<vmem>>, vector<16xi32>,
          tpu.vector_store %arg10[%swap3A_109, %swap3A_110], %and3A_98 {strides = array<i32>} : memref<2x128xi32, #tpu.memory_space<vmem>>, vector<16xi32>,
          tpu.vector_store_idx %arg12[%and3A_98], %broadcast_in_dim3A_7 {add = true} : memref<10112xf32, #tpu.memory_space<vmem>>[vector<16xi32>], vector<16xf32>,
        }
        %scan3A_76 = arith.constant 8 : i32
        %dma_start3A = arith.constant 0 : i32
        %dma_start3A_77 = arith.constant 0 : i32
        %dma_start3A_78 = arith.constant 0 : i32
        %dma_start3A_79 = arith.constant 0 : i32
        %dma_start3A_80 = tpu.memref_slice %arg11[%dma_start3A_77, %dma_start3A_78, %dma_start3A_79] : memref<2x128x128xf32, #tpu.memory_space<vmem>> -> memref<1x128x128xf32, #tpu.memory_space<vmem>>
        %dma_start3A_81 = tpu.memref_squeeze %dma_start3A_80 : memref<1x128x128xf32, #tpu.memory_space<vmem>> -> memref<128x128xf32, #tpu.memory_space<vmem>>
        %dma_start3A_82 = arith.constant 0 : i32
        %dma_start3A_83 = tpu.memref_slice %arg9[%dma_start3A, %dma_start3A_82] : memref<2x128xi32, #tpu.memory_space<vmem>> -> memref<1x128xi32, #tpu.memory_space<vmem>>
        %dma_start3A_84 = tpu.memref_squeeze %dma_start3A_83 : memref<1x128xi32, #tpu.memory_space<vmem>> -> memref<128xi32, #tpu.memory_space<vmem>>
        %dma_start3A_85 = arith.constant 0 : i32
        %dma_start3A_86 = arith.constant 0 : i32
        %dma_start3A_87 = tpu.memref_slice %arg2[%dma_start3A_85, %dma_start3A_86] : memref<10000x128xf32, #tpu.memory_space<hbm>> -> memref<10000x128xf32, #tpu.memory_space<hbm>>
        tpu.enqueue_indirect_dma source(%dma_start3A_87 : memref<10000x128xf32, #tpu.memory_space<hbm>>) target(%dma_start3A_81 : memref<128x128xf32, #tpu.memory_space<vmem>>) offsets(%dma_start3A_84 : memref<128xi32, #tpu.memory_space<vmem>>) semaphore(%arg14 : memref<!tpu.dma_semaphore, #tpu.memory_space<semaphore_mem>>)
      } else {
      }
      %add3A_59 = arith.constant 1 : i32
      %add3A_60 = arith.addi %add3A_41, %add3A_59 : i32
      %lt3A_61 = arith.cmpi slt, %add3A_60, %min3A_8 : i32
      %convert_element_type3A_62 = arith.extui %lt3A_61 : i1 to i32
      %cond3A_63 = arith.constant 0 : i32
      %cond3A_64 = arith.cmpi ne, %convert_element_type3A_62, %cond3A_63 : i32
      scf.if %cond3A_64 {
        %dma_wait3A_71 = arith.constant 1 : i32
        %dma_wait3A_72 = arith.constant 1 : i32
        %dma_wait3A_73 = arith.constant 0 : i32
        %dma_wait3A_74 = arith.constant 0 : i32
        %dma_wait3A_75 = tpu.memref_slice %arg11[%dma_wait3A_72, %dma_wait3A_73, %dma_wait3A_74] : memref<2x128x128xf32, #tpu.memory_space<vmem>> -> memref<1x128x128xf32, #tpu.memory_space<vmem>>
        %dma_wait3A_76 = tpu.memref_squeeze %dma_wait3A_75 : memref<1x128x128xf32, #tpu.memory_space<vmem>> -> memref<128x128xf32, #tpu.memory_space<vmem>>
        %dma_wait3A_77 = arith.constant 0 : i32
        %dma_wait3A_78 = tpu.memref_slice %arg9[%dma_wait3A_71, %dma_wait3A_77] : memref<2x128xi32, #tpu.memory_space<vmem>> -> memref<1x128xi32, #tpu.memory_space<vmem>>
        %dma_wait3A_79 = tpu.memref_squeeze %dma_wait3A_78 : memref<1x128xi32, #tpu.memory_space<vmem>> -> memref<128xi32, #tpu.memory_space<vmem>>
        %dma_wait3A_80 = arith.constant 0 : i32
        %dma_wait3A_81 = arith.constant 0 : i32
        %dma_wait3A_82 = tpu.memref_slice %arg2[%dma_wait3A_80, %dma_wait3A_81] : memref<10000x128xf32, #tpu.memory_space<hbm>> -> memref<10000x128xf32, #tpu.memory_space<hbm>>
        tpu.wait_indirect_dma semaphore(%arg15 : memref<!tpu.dma_semaphore, #tpu.memory_space<semaphore_mem>>) src(%dma_wait3A_82 : memref<10000x128xf32, #tpu.memory_space<hbm>>) dst(%dma_wait3A_76 : memref<128x128xf32, #tpu.memory_space<vmem>>)
        %run_scoped3A_83 = arith.constant 1 : i32
        %run_scoped3A_84 = arith.constant 1 : i32
        "tpu.region"() ({
          %run_scoped3A_85 = tpu.sem_alloc : memref<!tpu.dma_semaphore, #tpu.memory_space<semaphore_mem>>
          %dma_start3A = arith.constant 0 : i32
          %dma_start3A_86 = arith.constant 0 : i32
          %dma_start3A_87 = tpu.memref_slice %arg11[%run_scoped3A_83, %dma_start3A, %dma_start3A_86] : memref<2x128x128xf32, #tpu.memory_space<vmem>> -> memref<1x128x128xf32, #tpu.memory_space<vmem>>
          %dma_start3A_88 = tpu.memref_squeeze %dma_start3A_87 : memref<1x128x128xf32, #tpu.memory_space<vmem>> -> memref<128x128xf32, #tpu.memory_space<vmem>>
          %dma_start3A_89 = arith.constant 0 : i32
          %dma_start3A_90 = tpu.memref_slice %arg10[%run_scoped3A_84, %dma_start3A_89] : memref<2x128xi32, #tpu.memory_space<vmem>> -> memref<1x128xi32, #tpu.memory_space<vmem>>
          %dma_start3A_91 = tpu.memref_squeeze %dma_start3A_90 : memref<1x128xi32, #tpu.memory_space<vmem>> -> memref<128xi32, #tpu.memory_space<vmem>>
          %dma_start3A_92 = arith.constant 0 : i32
          %dma_start3A_93 = arith.constant 0 : i32
          %dma_start3A_94 = tpu.memref_slice %arg13[%dma_start3A_92, %dma_start3A_93] : memref<10112x128xf32, #tpu.memory_space<vmem_shared>> -> memref<10112x128xf32, #tpu.memory_space<vmem_shared>>
          tpu.enqueue_indirect_dma source(%dma_start3A_88 : memref<128x128xf32, #tpu.memory_space<vmem>>) target(%dma_start3A_94 : memref<10112x128xf32, #tpu.memory_space<vmem_shared>>) offsets(%dma_start3A_91 : memref<128xi32, #tpu.memory_space<vmem>>) semaphore(%run_scoped3A_85 : memref<!tpu.dma_semaphore, #tpu.memory_space<semaphore_mem>>) {add = true}
          %dma_wait3A_95 = arith.constant 0 : i32
          %dma_wait3A_96 = arith.constant 0 : i32
          %dma_wait3A_97 = tpu.memref_slice %arg11[%run_scoped3A_83, %dma_wait3A_95, %dma_wait3A_96] : memref<2x128x128xf32, #tpu.memory_space<vmem>> -> memref<1x128x128xf32, #tpu.memory_space<vmem>>
          %dma_wait3A_98 = tpu.memref_squeeze %dma_wait3A_97 : memref<1x128x128xf32, #tpu.memory_space<vmem>> -> memref<128x128xf32, #tpu.memory_space<vmem>>
          %dma_wait3A_99 = arith.constant 0 : i32
          %dma_wait3A_100 = tpu.memref_slice %arg10[%run_scoped3A_84, %dma_wait3A_99] : memref<2x128xi32, #tpu.memory_space<vmem>> -> memref<1x128xi32, #tpu.memory_space<vmem>>
          %dma_wait3A_101 = tpu.memref_squeeze %dma_wait3A_100 : memref<1x128xi32, #tpu.memory_space<vmem>> -> memref<128xi32, #tpu.memory_space<vmem>>
          %dma_wait3A_102 = arith.constant 0 : i32
          %dma_wait3A_103 = arith.constant 0 : i32
          %dma_wait3A_104 = tpu.memref_slice %arg13[%dma_wait3A_102, %dma_wait3A_103] : memref<10112x128xf32, #tpu.memory_space<vmem_shared>> -> memref<10112x128xf32, #tpu.memory_space<vmem_shared>>
          tpu.wait_indirect_dma semaphore(%run_scoped3A_85 : memref<!tpu.dma_semaphore, #tpu.memory_space<semaphore_mem>>) src(%dma_wait3A_98 : memref<128x128xf32, #tpu.memory_space<vmem>>) dst(%dma_wait3A_104 : memref<10112x128xf32, #tpu.memory_space<vmem_shared>>)
          tpu.yield
        }) : () -> ()
      } else {
      }
      %add3A_65 = arith.constant 3 : i32
      %add3A_66 = arith.addi %add3A_41, %add3A_65 : i32
      %lt3A_67 = arith.cmpi slt, %add3A_66, %min3A_8 : i32
      %convert_element_type3A_68 = arith.extui %lt3A_67 : i1 to i32
      %cond3A_69 = arith.constant 0 : i32
      %cond3A_70 = arith.cmpi ne, %convert_element_type3A_68, %cond3A_69 : i32
      scf.if %cond3A_70 {
        %add3A_71 = arith.constant 3 : i32
        %add3A_72 = arith.addi %add3A_41, %add3A_71 : i32
        %scan3A = arith.constant 0 : i32
        %scan3A_73 = arith.constant 8 : i32
        %scan3A_74 = arith.addi %scan3A, %scan3A_73 : i32
        %scan3A_75 = arith.constant 1 : i32
        scf.for %scan3A_88 = %scan3A to %scan3A_74 step %scan3A_75  : i32 {
          %mul3A_89 = arith.constant 1 : i32
          %mul3A_90 = arith.muli %scan3A_88, %mul3A_89 : i32
          %add3A_91 = arith.constant 0 : i32
          %add3A_92 = arith.addi %add3A_91, %mul3A_90 : i32
          %mul3A_93 = arith.constant 16 : i32
          %mul3A_94 = arith.muli %add3A_92, %mul3A_93 : i32
          %get3A = arith.index_cast %add3A_72 : i32 to index
          %get3A_95 = arith.index_cast %mul3A_94 : i32 to index
          %get3A_96 = tpu.vector_load %arg8[%get3A, %get3A_95] {strides = array<i32>} : memref<48x128xi32, #tpu.memory_space<vmem>>, vector<16xi32>,
          %and3A = arith.constant 16383 : i32
          %and3A_97 = vector.broadcast %and3A : i32 to vector<16xi32>
          %and3A_98 = arith.andi %get3A_96, %and3A_97 : vector<16xi32>
          %shift_right_logical3A = arith.constant 14 : i32
          %shift_right_logical3A_99 = vector.broadcast %shift_right_logical3A : i32 to vector<16xi32>
          %shift_right_logical3A_100 = arith.shrui %get3A_96, %shift_right_logical3A_99 : vector<16xi32>
          %mul3A_101 = arith.constant 16 : i32
          %mul3A_102 = arith.muli %add3A_92, %mul3A_101 : i32
          %swap3A = arith.constant 1 : i32
          %swap3A_103 = arith.index_cast %swap3A : i32 to index
          %swap3A_104 = arith.index_cast %mul3A_102 : i32 to index
          %swap3A_105 = tpu.vector_load %arg9[%swap3A_103, %swap3A_104] {strides = array<i32>} : memref<2x128xi32, #tpu.memory_space<vmem>>, vector<16xi32>,
          tpu.vector_store %arg9[%swap3A_103, %swap3A_104], %shift_right_logical3A_100 {strides = array<i32>} : memref<2x128xi32, #tpu.memory_space<vmem>>, vector<16xi32>,
          %mul3A_106 = arith.constant 16 : i32
          %mul3A_107 = arith.muli %add3A_92, %mul3A_106 : i32
          %swap3A_108 = arith.constant 1 : i32
          %swap3A_109 = arith.index_cast %swap3A_108 : i32 to index
          %swap3A_110 = arith.index_cast %mul3A_107 : i32 to index
          %swap3A_111 = tpu.vector_load %arg10[%swap3A_109, %swap3A_110] {strides = array<i32>} : memref<2x128xi32, #tpu.memory_space<vmem>>, vector<16xi32>,
          tpu.vector_store %arg10[%swap3A_109, %swap3A_110], %and3A_98 {strides = array<i32>} : memref<2x128xi32, #tpu.memory_space<vmem>>, vector<16xi32>,
          tpu.vector_store_idx %arg12[%and3A_98], %broadcast_in_dim3A_7 {add = true} : memref<10112xf32, #tpu.memory_space<vmem>>[vector<16xi32>], vector<16xf32>,
        }
        %scan3A_76 = arith.constant 8 : i32
        %dma_start3A = arith.constant 1 : i32
        %dma_start3A_77 = arith.constant 1 : i32
        %dma_start3A_78 = arith.constant 0 : i32
        %dma_start3A_79 = arith.constant 0 : i32
        %dma_start3A_80 = tpu.memref_slice %arg11[%dma_start3A_77, %dma_start3A_78, %dma_start3A_79] : memref<2x128x128xf32, #tpu.memory_space<vmem>> -> memref<1x128x128xf32, #tpu.memory_space<vmem>>
        %dma_start3A_81 = tpu.memref_squeeze %dma_start3A_80 : memref<1x128x128xf32, #tpu.memory_space<vmem>> -> memref<128x128xf32, #tpu.memory_space<vmem>>
        %dma_start3A_82 = arith.constant 0 : i32
        %dma_start3A_83 = tpu.memref_slice %arg9[%dma_start3A, %dma_start3A_82] : memref<2x128xi32, #tpu.memory_space<vmem>> -> memref<1x128xi32, #tpu.memory_space<vmem>>
        %dma_start3A_84 = tpu.memref_squeeze %dma_start3A_83 : memref<1x128xi32, #tpu.memory_space<vmem>> -> memref<128xi32, #tpu.memory_space<vmem>>
        %dma_start3A_85 = arith.constant 0 : i32
        %dma_start3A_86 = arith.constant 0 : i32
        %dma_start3A_87 = tpu.memref_slice %arg2[%dma_start3A_85, %dma_start3A_86] : memref<10000x128xf32, #tpu.memory_space<hbm>> -> memref<10000x128xf32, #tpu.memory_space<hbm>>
        tpu.enqueue_indirect_dma source(%dma_start3A_87 : memref<10000x128xf32, #tpu.memory_space<hbm>>) target(%dma_start3A_81 : memref<128x128xf32, #tpu.memory_space<vmem>>) offsets(%dma_start3A_84 : memref<128xi32, #tpu.memory_space<vmem>>) semaphore(%arg15 : memref<!tpu.dma_semaphore, #tpu.memory_space<semaphore_mem>>)
      } else {
      }
    }
    %gt3A = arith.constant 48 : i32
    %gt3A_34 = arith.cmpi sgt, %select_n3A, %gt3A : i32
    %convert_element_type3A_35 = arith.extui %gt3A_34 : i1 to i32
    %cond3A_36 = arith.constant 0 : i32
    %cond3A_37 = arith.cmpi ne, %convert_element_type3A_35, %cond3A_36 : i32
    scf.if %cond3A_37 {
      %sub3A_39 = arith.constant 48 : i32
      %sub3A_40 = arith.subi %select_n3A, %sub3A_39 : i32
      %add3A_41 = arith.constant 48 : i32
      %add3A_42 = arith.addi %multiple_of3A, %add3A_41 : i32
      "tpu.region"() ({
        %run_scoped3A = tpu.sem_alloc : memref<!tpu.dma_semaphore, #tpu.memory_space<semaphore_mem>>
        %dma_start3A = arith.constant 0 : i32
        %dma_start3A_72 = tpu.memref_slice %arg3[%arg1, %add3A_42, %dma_start3A] : memref<16x192x128xi32, #tpu.memory_space<hbm>> -> memref<1x48x128xi32, #tpu.memory_space<hbm>>
        %dma_start3A_73 = tpu.memref_squeeze %dma_start3A_72 : memref<1x48x128xi32, #tpu.memory_space<hbm>> -> memref<48x128xi32, #tpu.memory_space<hbm>>
        %dma_start3A_74 = arith.constant 0 : i32
        %dma_start3A_75 = tpu.memref_slice %arg3[%arg1, %add3A_42, %dma_start3A_74] : memref<16x192x128xi32, #tpu.memory_space<hbm>> -> memref<1x48x128xi32, #tpu.memory_space<hbm>>
        %dma_start3A_76 = tpu.memref_squeeze %dma_start3A_75 : memref<1x48x128xi32, #tpu.memory_space<hbm>> -> memref<48x128xi32, #tpu.memory_space<hbm>>
        tpu.enqueue_dma source(%dma_start3A_76 : memref<48x128xi32, #tpu.memory_space<hbm>>) target(%arg8 : memref<48x128xi32, #tpu.memory_space<vmem>>) target_semaphore(%run_scoped3A : memref<!tpu.dma_semaphore, #tpu.memory_space<semaphore_mem>>)
        %dma_wait3A = arith.constant 0 : i32
        %dma_wait3A_77 = tpu.memref_slice %arg3[%arg1, %add3A_42, %dma_wait3A] : memref<16x192x128xi32, #tpu.memory_space<hbm>> -> memref<1x48x128xi32, #tpu.memory_space<hbm>>
        %dma_wait3A_78 = tpu.memref_squeeze %dma_wait3A_77 : memref<1x48x128xi32, #tpu.memory_space<hbm>> -> memref<48x128xi32, #tpu.memory_space<hbm>>
        %dma_wait3A_79 = arith.constant 0 : i32
        %dma_wait3A_80 = tpu.memref_slice %arg3[%arg1, %add3A_42, %dma_wait3A_79] : memref<16x192x128xi32, #tpu.memory_space<hbm>> -> memref<1x48x128xi32, #tpu.memory_space<hbm>>
        %dma_wait3A_81 = tpu.memref_squeeze %dma_wait3A_80 : memref<1x48x128xi32, #tpu.memory_space<hbm>> -> memref<48x128xi32, #tpu.memory_space<hbm>>
        tpu.wait_dma2 semaphore(%run_scoped3A : memref<!tpu.dma_semaphore, #tpu.memory_space<semaphore_mem>>) src(%dma_wait3A_81 : memref<48x128xi32, #tpu.memory_space<hbm>>) dst(%arg8 : memref<48x128xi32, #tpu.memory_space<vmem>>)
        tpu.yield
      }) : () -> ()
      %ge3A_43 = arith.constant 1 : i32
      %ge3A_44 = arith.cmpi sge, %sub3A_40, %ge3A_43 : i32
      %convert_element_type3A_45 = arith.extui %ge3A_44 : i1 to i32
      %cond3A_46 = arith.constant 0 : i32
      %cond3A_47 = arith.cmpi ne, %convert_element_type3A_45, %cond3A_46 : i32
      scf.if %cond3A_47 {
        %scan3A = arith.constant 0 : i32
        %scan3A_72 = arith.constant 8 : i32
        %scan3A_73 = arith.addi %scan3A, %scan3A_72 : i32
        %scan3A_74 = arith.constant 1 : i32
        scf.for %scan3A_87 = %scan3A to %scan3A_73 step %scan3A_74  : i32 {
          %mul3A_88 = arith.constant 1 : i32
          %mul3A_89 = arith.muli %scan3A_87, %mul3A_88 : i32
          %add3A_90 = arith.constant 0 : i32
          %add3A_91 = arith.addi %add3A_90, %mul3A_89 : i32
          %mul3A_92 = arith.constant 16 : i32
          %mul3A_93 = arith.muli %add3A_91, %mul3A_92 : i32
          %get3A = arith.constant 0 : i32
          %get3A_94 = arith.index_cast %get3A : i32 to index
          %get3A_95 = arith.index_cast %mul3A_93 : i32 to index
          %get3A_96 = tpu.vector_load %arg8[%get3A_94, %get3A_95] {strides = array<i32>} : memref<48x128xi32, #tpu.memory_space<vmem>>, vector<16xi32>,
          %and3A = arith.constant 16383 : i32
          %and3A_97 = vector.broadcast %and3A : i32 to vector<16xi32>
          %and3A_98 = arith.andi %get3A_96, %and3A_97 : vector<16xi32>
          %shift_right_logical3A = arith.constant 14 : i32
          %shift_right_logical3A_99 = vector.broadcast %shift_right_logical3A : i32 to vector<16xi32>
          %shift_right_logical3A_100 = arith.shrui %get3A_96, %shift_right_logical3A_99 : vector<16xi32>
          %mul3A_101 = arith.constant 16 : i32
          %mul3A_102 = arith.muli %add3A_91, %mul3A_101 : i32
          %swap3A = arith.constant 0 : i32
          %swap3A_103 = arith.index_cast %swap3A : i32 to index
          %swap3A_104 = arith.index_cast %mul3A_102 : i32 to index
          %swap3A_105 = tpu.vector_load %arg9[%swap3A_103, %swap3A_104] {strides = array<i32>} : memref<2x128xi32, #tpu.memory_space<vmem>>, vector<16xi32>,
          tpu.vector_store %arg9[%swap3A_103, %swap3A_104], %shift_right_logical3A_100 {strides = array<i32>} : memref<2x128xi32, #tpu.memory_space<vmem>>, vector<16xi32>,
          %mul3A_106 = arith.constant 16 : i32
          %mul3A_107 = arith.muli %add3A_91, %mul3A_106 : i32
          %swap3A_108 = arith.constant 0 : i32
          %swap3A_109 = arith.index_cast %swap3A_108 : i32 to index
          %swap3A_110 = arith.index_cast %mul3A_107 : i32 to index
          %swap3A_111 = tpu.vector_load %arg10[%swap3A_109, %swap3A_110] {strides = array<i32>} : memref<2x128xi32, #tpu.memory_space<vmem>>, vector<16xi32>,
          tpu.vector_store %arg10[%swap3A_109, %swap3A_110], %and3A_98 {strides = array<i32>} : memref<2x128xi32, #tpu.memory_space<vmem>>, vector<16xi32>,
          tpu.vector_store_idx %arg12[%and3A_98], %broadcast_in_dim3A_7 {add = true} : memref<10112xf32, #tpu.memory_space<vmem>>[vector<16xi32>], vector<16xf32>,
        }
        %scan3A_75 = arith.constant 8 : i32
        %dma_start3A = arith.constant 0 : i32
        %dma_start3A_76 = arith.constant 0 : i32
        %dma_start3A_77 = arith.constant 0 : i32
        %dma_start3A_78 = arith.constant 0 : i32
        %dma_start3A_79 = tpu.memref_slice %arg11[%dma_start3A_76, %dma_start3A_77, %dma_start3A_78] : memref<2x128x128xf32, #tpu.memory_space<vmem>> -> memref<1x128x128xf32, #tpu.memory_space<vmem>>
        %dma_start3A_80 = tpu.memref_squeeze %dma_start3A_79 : memref<1x128x128xf32, #tpu.memory_space<vmem>> -> memref<128x128xf32, #tpu.memory_space<vmem>>
        %dma_start3A_81 = arith.constant 0 : i32
        %dma_start3A_82 = tpu.memref_slice %arg9[%dma_start3A, %dma_start3A_81] : memref<2x128xi32, #tpu.memory_space<vmem>> -> memref<1x128xi32, #tpu.memory_space<vmem>>
        %dma_start3A_83 = tpu.memref_squeeze %dma_start3A_82 : memref<1x128xi32, #tpu.memory_space<vmem>> -> memref<128xi32, #tpu.memory_space<vmem>>
        %dma_start3A_84 = arith.constant 0 : i32
        %dma_start3A_85 = arith.constant 0 : i32
        %dma_start3A_86 = tpu.memref_slice %arg2[%dma_start3A_84, %dma_start3A_85] : memref<10000x128xf32, #tpu.memory_space<hbm>> -> memref<10000x128xf32, #tpu.memory_space<hbm>>
        tpu.enqueue_indirect_dma source(%dma_start3A_86 : memref<10000x128xf32, #tpu.memory_space<hbm>>) target(%dma_start3A_80 : memref<128x128xf32, #tpu.memory_space<vmem>>) offsets(%dma_start3A_83 : memref<128xi32, #tpu.memory_space<vmem>>) semaphore(%arg14 : memref<!tpu.dma_semaphore, #tpu.memory_space<semaphore_mem>>)
      } else {
      }
      %ge3A_48 = arith.constant 2 : i32
      %ge3A_49 = arith.cmpi sge, %sub3A_40, %ge3A_48 : i32
      %convert_element_type3A_50 = arith.extui %ge3A_49 : i1 to i32
      %cond3A_51 = arith.constant 0 : i32
      %cond3A_52 = arith.cmpi ne, %convert_element_type3A_50, %cond3A_51 : i32
      scf.if %cond3A_52 {
        %scan3A = arith.constant 0 : i32
        %scan3A_72 = arith.constant 8 : i32
        %scan3A_73 = arith.addi %scan3A, %scan3A_72 : i32
        %scan3A_74 = arith.constant 1 : i32
        scf.for %scan3A_87 = %scan3A to %scan3A_73 step %scan3A_74  : i32 {
          %mul3A_88 = arith.constant 1 : i32
          %mul3A_89 = arith.muli %scan3A_87, %mul3A_88 : i32
          %add3A_90 = arith.constant 0 : i32
          %add3A_91 = arith.addi %add3A_90, %mul3A_89 : i32
          %mul3A_92 = arith.constant 16 : i32
          %mul3A_93 = arith.muli %add3A_91, %mul3A_92 : i32
          %get3A = arith.constant 1 : i32
          %get3A_94 = arith.index_cast %get3A : i32 to index
          %get3A_95 = arith.index_cast %mul3A_93 : i32 to index
          %get3A_96 = tpu.vector_load %arg8[%get3A_94, %get3A_95] {strides = array<i32>} : memref<48x128xi32, #tpu.memory_space<vmem>>, vector<16xi32>,
          %and3A = arith.constant 16383 : i32
          %and3A_97 = vector.broadcast %and3A : i32 to vector<16xi32>
          %and3A_98 = arith.andi %get3A_96, %and3A_97 : vector<16xi32>
          %shift_right_logical3A = arith.constant 14 : i32
          %shift_right_logical3A_99 = vector.broadcast %shift_right_logical3A : i32 to vector<16xi32>
          %shift_right_logical3A_100 = arith.shrui %get3A_96, %shift_right_logical3A_99 : vector<16xi32>
          %mul3A_101 = arith.constant 16 : i32
          %mul3A_102 = arith.muli %add3A_91, %mul3A_101 : i32
          %swap3A = arith.constant 1 : i32
          %swap3A_103 = arith.index_cast %swap3A : i32 to index
          %swap3A_104 = arith.index_cast %mul3A_102 : i32 to index
          %swap3A_105 = tpu.vector_load %arg9[%swap3A_103, %swap3A_104] {strides = array<i32>} : memref<2x128xi32, #tpu.memory_space<vmem>>, vector<16xi32>,
          tpu.vector_store %arg9[%swap3A_103, %swap3A_104], %shift_right_logical3A_100 {strides = array<i32>} : memref<2x128xi32, #tpu.memory_space<vmem>>, vector<16xi32>,
          %mul3A_106 = arith.constant 16 : i32
          %mul3A_107 = arith.muli %add3A_91, %mul3A_106 : i32
          %swap3A_108 = arith.constant 1 : i32
          %swap3A_109 = arith.index_cast %swap3A_108 : i32 to index
          %swap3A_110 = arith.index_cast %mul3A_107 : i32 to index
          %swap3A_111 = tpu.vector_load %arg10[%swap3A_109, %swap3A_110] {strides = array<i32>} : memref<2x128xi32, #tpu.memory_space<vmem>>, vector<16xi32>,
          tpu.vector_store %arg10[%swap3A_109, %swap3A_110], %and3A_98 {strides = array<i32>} : memref<2x128xi32, #tpu.memory_space<vmem>>, vector<16xi32>,
          tpu.vector_store_idx %arg12[%and3A_98], %broadcast_in_dim3A_7 {add = true} : memref<10112xf32, #tpu.memory_space<vmem>>[vector<16xi32>], vector<16xf32>,
        }
        %scan3A_75 = arith.constant 8 : i32
        %dma_start3A = arith.constant 1 : i32
        %dma_start3A_76 = arith.constant 1 : i32
        %dma_start3A_77 = arith.constant 0 : i32
        %dma_start3A_78 = arith.constant 0 : i32
        %dma_start3A_79 = tpu.memref_slice %arg11[%dma_start3A_76, %dma_start3A_77, %dma_start3A_78] : memref<2x128x128xf32, #tpu.memory_space<vmem>> -> memref<1x128x128xf32, #tpu.memory_space<vmem>>
        %dma_start3A_80 = tpu.memref_squeeze %dma_start3A_79 : memref<1x128x128xf32, #tpu.memory_space<vmem>> -> memref<128x128xf32, #tpu.memory_space<vmem>>
        %dma_start3A_81 = arith.constant 0 : i32
        %dma_start3A_82 = tpu.memref_slice %arg9[%dma_start3A, %dma_start3A_81] : memref<2x128xi32, #tpu.memory_space<vmem>> -> memref<1x128xi32, #tpu.memory_space<vmem>>
        %dma_start3A_83 = tpu.memref_squeeze %dma_start3A_82 : memref<1x128xi32, #tpu.memory_space<vmem>> -> memref<128xi32, #tpu.memory_space<vmem>>
        %dma_start3A_84 = arith.constant 0 : i32
        %dma_start3A_85 = arith.constant 0 : i32
        %dma_start3A_86 = tpu.memref_slice %arg2[%dma_start3A_84, %dma_start3A_85] : memref<10000x128xf32, #tpu.memory_space<hbm>> -> memref<10000x128xf32, #tpu.memory_space<hbm>>
        tpu.enqueue_indirect_dma source(%dma_start3A_86 : memref<10000x128xf32, #tpu.memory_space<hbm>>) target(%dma_start3A_80 : memref<128x128xf32, #tpu.memory_space<vmem>>) offsets(%dma_start3A_83 : memref<128xi32, #tpu.memory_space<vmem>>) semaphore(%arg15 : memref<!tpu.dma_semaphore, #tpu.memory_space<semaphore_mem>>)
      } else {
      }
      %sub3A_53 = arith.constant 0 : i32
      %sub3A_54 = arith.subi %sub3A_40, %sub3A_53 : i32
      %sub3A_55 = arith.constant 2 : i32
      %sub3A_56 = arith.constant 1 : i32
      %sub3A_57 = arith.subi %sub3A_55, %sub3A_56 : i32
      %add3A_58 = arith.addi %sub3A_54, %sub3A_57 : i32
      %div3A_59 = arith.constant 2 : i32
      %div3A_60 = arith.divsi %add3A_58, %div3A_59 : i32
      %while3A_61 = arith.constant 2 : i32
      %while3A_62 = arith.constant 0 : i32
      %while3A_63 = arith.constant 0 : i32
      %while3A_64 = arith.subi %div3A_60, %while3A_63 : i32
      %while3A_65 = arith.addi %while3A_63, %while3A_64 : i32
      %while3A_66 = arith.constant 1 : i32
      %while3A_67 = arith.divsi %while3A_64, %while3A_66 : i32
      %while3A_68 = arith.muli %while3A_67, %while3A_66 : i32
      %while3A_69 = arith.addi %while3A_63, %while3A_68 : i32
      %while3A_70 = arith.constant 1 : i32
      scf.for %while3A_72 = %while3A_63 to %while3A_69 step %while3A_70  : i32 {
        %mul3A_73 = arith.muli %while3A_72, %while3A_61 : i32
        %add3A_74 = arith.addi %while3A_62, %mul3A_73 : i32
        %dma_wait3A = arith.constant 0 : i32
        %dma_wait3A_75 = arith.constant 0 : i32
        %dma_wait3A_76 = arith.constant 0 : i32
        %dma_wait3A_77 = arith.constant 0 : i32
        %dma_wait3A_78 = tpu.memref_slice %arg11[%dma_wait3A_75, %dma_wait3A_76, %dma_wait3A_77] : memref<2x128x128xf32, #tpu.memory_space<vmem>> -> memref<1x128x128xf32, #tpu.memory_space<vmem>>
        %dma_wait3A_79 = tpu.memref_squeeze %dma_wait3A_78 : memref<1x128x128xf32, #tpu.memory_space<vmem>> -> memref<128x128xf32, #tpu.memory_space<vmem>>
        %dma_wait3A_80 = arith.constant 0 : i32
        %dma_wait3A_81 = tpu.memref_slice %arg9[%dma_wait3A, %dma_wait3A_80] : memref<2x128xi32, #tpu.memory_space<vmem>> -> memref<1x128xi32, #tpu.memory_space<vmem>>
        %dma_wait3A_82 = tpu.memref_squeeze %dma_wait3A_81 : memref<1x128xi32, #tpu.memory_space<vmem>> -> memref<128xi32, #tpu.memory_space<vmem>>
        %dma_wait3A_83 = arith.constant 0 : i32
        %dma_wait3A_84 = arith.constant 0 : i32
        %dma_wait3A_85 = tpu.memref_slice %arg2[%dma_wait3A_83, %dma_wait3A_84] : memref<10000x128xf32, #tpu.memory_space<hbm>> -> memref<10000x128xf32, #tpu.memory_space<hbm>>
        tpu.wait_indirect_dma semaphore(%arg14 : memref<!tpu.dma_semaphore, #tpu.memory_space<semaphore_mem>>) src(%dma_wait3A_85 : memref<10000x128xf32, #tpu.memory_space<hbm>>) dst(%dma_wait3A_79 : memref<128x128xf32, #tpu.memory_space<vmem>>)
        %run_scoped3A = arith.constant 0 : i32
        %run_scoped3A_86 = arith.constant 0 : i32
        "tpu.region"() ({
          %run_scoped3A_104 = tpu.sem_alloc : memref<!tpu.dma_semaphore, #tpu.memory_space<semaphore_mem>>
          %dma_start3A = arith.constant 0 : i32
          %dma_start3A_105 = arith.constant 0 : i32
          %dma_start3A_106 = tpu.memref_slice %arg11[%run_scoped3A, %dma_start3A, %dma_start3A_105] : memref<2x128x128xf32, #tpu.memory_space<vmem>> -> memref<1x128x128xf32, #tpu.memory_space<vmem>>
          %dma_start3A_107 = tpu.memref_squeeze %dma_start3A_106 : memref<1x128x128xf32, #tpu.memory_space<vmem>> -> memref<128x128xf32, #tpu.memory_space<vmem>>
          %dma_start3A_108 = arith.constant 0 : i32
          %dma_start3A_109 = tpu.memref_slice %arg10[%run_scoped3A_86, %dma_start3A_108] : memref<2x128xi32, #tpu.memory_space<vmem>> -> memref<1x128xi32, #tpu.memory_space<vmem>>
          %dma_start3A_110 = tpu.memref_squeeze %dma_start3A_109 : memref<1x128xi32, #tpu.memory_space<vmem>> -> memref<128xi32, #tpu.memory_space<vmem>>
          %dma_start3A_111 = arith.constant 0 : i32
          %dma_start3A_112 = arith.constant 0 : i32
          %dma_start3A_113 = tpu.memref_slice %arg13[%dma_start3A_111, %dma_start3A_112] : memref<10112x128xf32, #tpu.memory_space<vmem_shared>> -> memref<10112x128xf32, #tpu.memory_space<vmem_shared>>
          tpu.enqueue_indirect_dma source(%dma_start3A_107 : memref<128x128xf32, #tpu.memory_space<vmem>>) target(%dma_start3A_113 : memref<10112x128xf32, #tpu.memory_space<vmem_shared>>) offsets(%dma_start3A_110 : memref<128xi32, #tpu.memory_space<vmem>>) semaphore(%run_scoped3A_104 : memref<!tpu.dma_semaphore, #tpu.memory_space<semaphore_mem>>) {add = true}
          %dma_wait3A_114 = arith.constant 0 : i32
          %dma_wait3A_115 = arith.constant 0 : i32
          %dma_wait3A_116 = tpu.memref_slice %arg11[%run_scoped3A, %dma_wait3A_114, %dma_wait3A_115] : memref<2x128x128xf32, #tpu.memory_space<vmem>> -> memref<1x128x128xf32, #tpu.memory_space<vmem>>
          %dma_wait3A_117 = tpu.memref_squeeze %dma_wait3A_116 : memref<1x128x128xf32, #tpu.memory_space<vmem>> -> memref<128x128xf32, #tpu.memory_space<vmem>>
          %dma_wait3A_118 = arith.constant 0 : i32
          %dma_wait3A_119 = tpu.memref_slice %arg10[%run_scoped3A_86, %dma_wait3A_118] : memref<2x128xi32, #tpu.memory_space<vmem>> -> memref<1x128xi32, #tpu.memory_space<vmem>>
          %dma_wait3A_120 = tpu.memref_squeeze %dma_wait3A_119 : memref<1x128xi32, #tpu.memory_space<vmem>> -> memref<128xi32, #tpu.memory_space<vmem>>
          %dma_wait3A_121 = arith.constant 0 : i32
          %dma_wait3A_122 = arith.constant 0 : i32
          %dma_wait3A_123 = tpu.memref_slice %arg13[%dma_wait3A_121, %dma_wait3A_122] : memref<10112x128xf32, #tpu.memory_space<vmem_shared>> -> memref<10112x128xf32, #tpu.memory_space<vmem_shared>>
          tpu.wait_indirect_dma semaphore(%run_scoped3A_104 : memref<!tpu.dma_semaphore, #tpu.memory_space<semaphore_mem>>) src(%dma_wait3A_117 : memref<128x128xf32, #tpu.memory_space<vmem>>) dst(%dma_wait3A_123 : memref<10112x128xf32, #tpu.memory_space<vmem_shared>>)
          tpu.yield
        }) : () -> ()
        %add3A_87 = arith.constant 2 : i32
        %add3A_88 = arith.addi %add3A_74, %add3A_87 : i32
        %lt3A = arith.cmpi slt, %add3A_88, %sub3A_40 : i32
        %convert_element_type3A_89 = arith.extui %lt3A : i1 to i32
        %cond3A_90 = arith.constant 0 : i32
        %cond3A_91 = arith.cmpi ne, %convert_element_type3A_89, %cond3A_90 : i32
        scf.if %cond3A_91 {
          %add3A_104 = arith.constant 2 : i32
          %add3A_105 = arith.addi %add3A_74, %add3A_104 : i32
          %scan3A = arith.constant 0 : i32
          %scan3A_106 = arith.constant 8 : i32
          %scan3A_107 = arith.addi %scan3A, %scan3A_106 : i32
          %scan3A_108 = arith.constant 1 : i32
          scf.for %scan3A_121 = %scan3A to %scan3A_107 step %scan3A_108  : i32 {
            %mul3A_122 = arith.constant 1 : i32
            %mul3A_123 = arith.muli %scan3A_121, %mul3A_122 : i32
            %add3A_124 = arith.constant 0 : i32
            %add3A_125 = arith.addi %add3A_124, %mul3A_123 : i32
            %mul3A_126 = arith.constant 16 : i32
            %mul3A_127 = arith.muli %add3A_125, %mul3A_126 : i32
            %get3A = arith.index_cast %add3A_105 : i32 to index
            %get3A_128 = arith.index_cast %mul3A_127 : i32 to index
            %get3A_129 = tpu.vector_load %arg8[%get3A, %get3A_128] {strides = array<i32>} : memref<48x128xi32, #tpu.memory_space<vmem>>, vector<16xi32>,
            %and3A = arith.constant 16383 : i32
            %and3A_130 = vector.broadcast %and3A : i32 to vector<16xi32>
            %and3A_131 = arith.andi %get3A_129, %and3A_130 : vector<16xi32>
            %shift_right_logical3A = arith.constant 14 : i32
            %shift_right_logical3A_132 = vector.broadcast %shift_right_logical3A : i32 to vector<16xi32>
            %shift_right_logical3A_133 = arith.shrui %get3A_129, %shift_right_logical3A_132 : vector<16xi32>
            %mul3A_134 = arith.constant 16 : i32
            %mul3A_135 = arith.muli %add3A_125, %mul3A_134 : i32
            %swap3A = arith.constant 0 : i32
            %swap3A_136 = arith.index_cast %swap3A : i32 to index
            %swap3A_137 = arith.index_cast %mul3A_135 : i32 to index
            %swap3A_138 = tpu.vector_load %arg9[%swap3A_136, %swap3A_137] {strides = array<i32>} : memref<2x128xi32, #tpu.memory_space<vmem>>, vector<16xi32>,
            tpu.vector_store %arg9[%swap3A_136, %swap3A_137], %shift_right_logical3A_133 {strides = array<i32>} : memref<2x128xi32, #tpu.memory_space<vmem>>, vector<16xi32>,
            %mul3A_139 = arith.constant 16 : i32
            %mul3A_140 = arith.muli %add3A_125, %mul3A_139 : i32
            %swap3A_141 = arith.constant 0 : i32
            %swap3A_142 = arith.index_cast %swap3A_141 : i32 to index
            %swap3A_143 = arith.index_cast %mul3A_140 : i32 to index
            %swap3A_144 = tpu.vector_load %arg10[%swap3A_142, %swap3A_143] {strides = array<i32>} : memref<2x128xi32, #tpu.memory_space<vmem>>, vector<16xi32>,
            tpu.vector_store %arg10[%swap3A_142, %swap3A_143], %and3A_131 {strides = array<i32>} : memref<2x128xi32, #tpu.memory_space<vmem>>, vector<16xi32>,
            tpu.vector_store_idx %arg12[%and3A_131], %broadcast_in_dim3A_7 {add = true} : memref<10112xf32, #tpu.memory_space<vmem>>[vector<16xi32>], vector<16xf32>,
          }
          %scan3A_109 = arith.constant 8 : i32
          %dma_start3A = arith.constant 0 : i32
          %dma_start3A_110 = arith.constant 0 : i32
          %dma_start3A_111 = arith.constant 0 : i32
          %dma_start3A_112 = arith.constant 0 : i32
          %dma_start3A_113 = tpu.memref_slice %arg11[%dma_start3A_110, %dma_start3A_111, %dma_start3A_112] : memref<2x128x128xf32, #tpu.memory_space<vmem>> -> memref<1x128x128xf32, #tpu.memory_space<vmem>>
          %dma_start3A_114 = tpu.memref_squeeze %dma_start3A_113 : memref<1x128x128xf32, #tpu.memory_space<vmem>> -> memref<128x128xf32, #tpu.memory_space<vmem>>
          %dma_start3A_115 = arith.constant 0 : i32
          %dma_start3A_116 = tpu.memref_slice %arg9[%dma_start3A, %dma_start3A_115] : memref<2x128xi32, #tpu.memory_space<vmem>> -> memref<1x128xi32, #tpu.memory_space<vmem>>
          %dma_start3A_117 = tpu.memref_squeeze %dma_start3A_116 : memref<1x128xi32, #tpu.memory_space<vmem>> -> memref<128xi32, #tpu.memory_space<vmem>>
          %dma_start3A_118 = arith.constant 0 : i32
          %dma_start3A_119 = arith.constant 0 : i32
          %dma_start3A_120 = tpu.memref_slice %arg2[%dma_start3A_118, %dma_start3A_119] : memref<10000x128xf32, #tpu.memory_space<hbm>> -> memref<10000x128xf32, #tpu.memory_space<hbm>>
          tpu.enqueue_indirect_dma source(%dma_start3A_120 : memref<10000x128xf32, #tpu.memory_space<hbm>>) target(%dma_start3A_114 : memref<128x128xf32, #tpu.memory_space<vmem>>) offsets(%dma_start3A_117 : memref<128xi32, #tpu.memory_space<vmem>>) semaphore(%arg14 : memref<!tpu.dma_semaphore, #tpu.memory_space<semaphore_mem>>)
        } else {
        }
        %add3A_92 = arith.constant 1 : i32
        %add3A_93 = arith.addi %add3A_74, %add3A_92 : i32
        %lt3A_94 = arith.cmpi slt, %add3A_93, %sub3A_40 : i32
        %convert_element_type3A_95 = arith.extui %lt3A_94 : i1 to i32
        %cond3A_96 = arith.constant 0 : i32
        %cond3A_97 = arith.cmpi ne, %convert_element_type3A_95, %cond3A_96 : i32
        scf.if %cond3A_97 {
          %dma_wait3A_104 = arith.constant 1 : i32
          %dma_wait3A_105 = arith.constant 1 : i32
          %dma_wait3A_106 = arith.constant 0 : i32
          %dma_wait3A_107 = arith.constant 0 : i32
          %dma_wait3A_108 = tpu.memref_slice %arg11[%dma_wait3A_105, %dma_wait3A_106, %dma_wait3A_107] : memref<2x128x128xf32, #tpu.memory_space<vmem>> -> memref<1x128x128xf32, #tpu.memory_space<vmem>>
          %dma_wait3A_109 = tpu.memref_squeeze %dma_wait3A_108 : memref<1x128x128xf32, #tpu.memory_space<vmem>> -> memref<128x128xf32, #tpu.memory_space<vmem>>
          %dma_wait3A_110 = arith.constant 0 : i32
          %dma_wait3A_111 = tpu.memref_slice %arg9[%dma_wait3A_104, %dma_wait3A_110] : memref<2x128xi32, #tpu.memory_space<vmem>> -> memref<1x128xi32, #tpu.memory_space<vmem>>
          %dma_wait3A_112 = tpu.memref_squeeze %dma_wait3A_111 : memref<1x128xi32, #tpu.memory_space<vmem>> -> memref<128xi32, #tpu.memory_space<vmem>>
          %dma_wait3A_113 = arith.constant 0 : i32
          %dma_wait3A_114 = arith.constant 0 : i32
          %dma_wait3A_115 = tpu.memref_slice %arg2[%dma_wait3A_113, %dma_wait3A_114] : memref<10000x128xf32, #tpu.memory_space<hbm>> -> memref<10000x128xf32, #tpu.memory_space<hbm>>
          tpu.wait_indirect_dma semaphore(%arg15 : memref<!tpu.dma_semaphore, #tpu.memory_space<semaphore_mem>>) src(%dma_wait3A_115 : memref<10000x128xf32, #tpu.memory_space<hbm>>) dst(%dma_wait3A_109 : memref<128x128xf32, #tpu.memory_space<vmem>>)
          %run_scoped3A_116 = arith.constant 1 : i32
          %run_scoped3A_117 = arith.constant 1 : i32
          "tpu.region"() ({
            %run_scoped3A_118 = tpu.sem_alloc : memref<!tpu.dma_semaphore, #tpu.memory_space<semaphore_mem>>
            %dma_start3A = arith.constant 0 : i32
            %dma_start3A_119 = arith.constant 0 : i32
            %dma_start3A_120 = tpu.memref_slice %arg11[%run_scoped3A_116, %dma_start3A, %dma_start3A_119] : memref<2x128x128xf32, #tpu.memory_space<vmem>> -> memref<1x128x128xf32, #tpu.memory_space<vmem>>
            %dma_start3A_121 = tpu.memref_squeeze %dma_start3A_120 : memref<1x128x128xf32, #tpu.memory_space<vmem>> -> memref<128x128xf32, #tpu.memory_space<vmem>>
            %dma_start3A_122 = arith.constant 0 : i32
            %dma_start3A_123 = tpu.memref_slice %arg10[%run_scoped3A_117, %dma_start3A_122] : memref<2x128xi32, #tpu.memory_space<vmem>> -> memref<1x128xi32, #tpu.memory_space<vmem>>
            %dma_start3A_124 = tpu.memref_squeeze %dma_start3A_123 : memref<1x128xi32, #tpu.memory_space<vmem>> -> memref<128xi32, #tpu.memory_space<vmem>>
            %dma_start3A_125 = arith.constant 0 : i32
            %dma_start3A_126 = arith.constant 0 : i32
            %dma_start3A_127 = tpu.memref_slice %arg13[%dma_start3A_125, %dma_start3A_126] : memref<10112x128xf32, #tpu.memory_space<vmem_shared>> -> memref<10112x128xf32, #tpu.memory_space<vmem_shared>>
            tpu.enqueue_indirect_dma source(%dma_start3A_121 : memref<128x128xf32, #tpu.memory_space<vmem>>) target(%dma_start3A_127 : memref<10112x128xf32, #tpu.memory_space<vmem_shared>>) offsets(%dma_start3A_124 : memref<128xi32, #tpu.memory_space<vmem>>) semaphore(%run_scoped3A_118 : memref<!tpu.dma_semaphore, #tpu.memory_space<semaphore_mem>>) {add = true}
            %dma_wait3A_128 = arith.constant 0 : i32
            %dma_wait3A_129 = arith.constant 0 : i32
            %dma_wait3A_130 = tpu.memref_slice %arg11[%run_scoped3A_116, %dma_wait3A_128, %dma_wait3A_129] : memref<2x128x128xf32, #tpu.memory_space<vmem>> -> memref<1x128x128xf32, #tpu.memory_space<vmem>>
            %dma_wait3A_131 = tpu.memref_squeeze %dma_wait3A_130 : memref<1x128x128xf32, #tpu.memory_space<vmem>> -> memref<128x128xf32, #tpu.memory_space<vmem>>
            %dma_wait3A_132 = arith.constant 0 : i32
            %dma_wait3A_133 = tpu.memref_slice %arg10[%run_scoped3A_117, %dma_wait3A_132] : memref<2x128xi32, #tpu.memory_space<vmem>> -> memref<1x128xi32, #tpu.memory_space<vmem>>
            %dma_wait3A_134 = tpu.memref_squeeze %dma_wait3A_133 : memref<1x128xi32, #tpu.memory_space<vmem>> -> memref<128xi32, #tpu.memory_space<vmem>>
            %dma_wait3A_135 = arith.constant 0 : i32
            %dma_wait3A_136 = arith.constant 0 : i32
            %dma_wait3A_137 = tpu.memref_slice %arg13[%dma_wait3A_135, %dma_wait3A_136] : memref<10112x128xf32, #tpu.memory_space<vmem_shared>> -> memref<10112x128xf32, #tpu.memory_space<vmem_shared>>
            tpu.wait_indirect_dma semaphore(%run_scoped3A_118 : memref<!tpu.dma_semaphore, #tpu.memory_space<semaphore_mem>>) src(%dma_wait3A_131 : memref<128x128xf32, #tpu.memory_space<vmem>>) dst(%dma_wait3A_137 : memref<10112x128xf32, #tpu.memory_space<vmem_shared>>)
            tpu.yield
          }) : () -> ()
        } else {
        }
        %add3A_98 = arith.constant 3 : i32
        %add3A_99 = arith.addi %add3A_74, %add3A_98 : i32
        %lt3A_100 = arith.cmpi slt, %add3A_99, %sub3A_40 : i32
        %convert_element_type3A_101 = arith.extui %lt3A_100 : i1 to i32
        %cond3A_102 = arith.constant 0 : i32
        %cond3A_103 = arith.cmpi ne, %convert_element_type3A_101, %cond3A_102 : i32
        scf.if %cond3A_103 {
          %add3A_104 = arith.constant 3 : i32
          %add3A_105 = arith.addi %add3A_74, %add3A_104 : i32
          %scan3A = arith.constant 0 : i32
          %scan3A_106 = arith.constant 8 : i32
          %scan3A_107 = arith.addi %scan3A, %scan3A_106 : i32
          %scan3A_108 = arith.constant 1 : i32
          scf.for %scan3A_121 = %scan3A to %scan3A_107 step %scan3A_108  : i32 {
            %mul3A_122 = arith.constant 1 : i32
            %mul3A_123 = arith.muli %scan3A_121, %mul3A_122 : i32
            %add3A_124 = arith.constant 0 : i32
            %add3A_125 = arith.addi %add3A_124, %mul3A_123 : i32
            %mul3A_126 = arith.constant 16 : i32
            %mul3A_127 = arith.muli %add3A_125, %mul3A_126 : i32
            %get3A = arith.index_cast %add3A_105 : i32 to index
            %get3A_128 = arith.index_cast %mul3A_127 : i32 to index
            %get3A_129 = tpu.vector_load %arg8[%get3A, %get3A_128] {strides = array<i32>} : memref<48x128xi32, #tpu.memory_space<vmem>>, vector<16xi32>,
            %and3A = arith.constant 16383 : i32
            %and3A_130 = vector.broadcast %and3A : i32 to vector<16xi32>
            %and3A_131 = arith.andi %get3A_129, %and3A_130 : vector<16xi32>
            %shift_right_logical3A = arith.constant 14 : i32
            %shift_right_logical3A_132 = vector.broadcast %shift_right_logical3A : i32 to vector<16xi32>
            %shift_right_logical3A_133 = arith.shrui %get3A_129, %shift_right_logical3A_132 : vector<16xi32>
            %mul3A_134 = arith.constant 16 : i32
            %mul3A_135 = arith.muli %add3A_125, %mul3A_134 : i32
            %swap3A = arith.constant 1 : i32
            %swap3A_136 = arith.index_cast %swap3A : i32 to index
            %swap3A_137 = arith.index_cast %mul3A_135 : i32 to index
            %swap3A_138 = tpu.vector_load %arg9[%swap3A_136, %swap3A_137] {strides = array<i32>} : memref<2x128xi32, #tpu.memory_space<vmem>>, vector<16xi32>,
            tpu.vector_store %arg9[%swap3A_136, %swap3A_137], %shift_right_logical3A_133 {strides = array<i32>} : memref<2x128xi32, #tpu.memory_space<vmem>>, vector<16xi32>,
            %mul3A_139 = arith.constant 16 : i32
            %mul3A_140 = arith.muli %add3A_125, %mul3A_139 : i32
            %swap3A_141 = arith.constant 1 : i32
            %swap3A_142 = arith.index_cast %swap3A_141 : i32 to index
            %swap3A_143 = arith.index_cast %mul3A_140 : i32 to index
            %swap3A_144 = tpu.vector_load %arg10[%swap3A_142, %swap3A_143] {strides = array<i32>} : memref<2x128xi32, #tpu.memory_space<vmem>>, vector<16xi32>,
            tpu.vector_store %arg10[%swap3A_142, %swap3A_143], %and3A_131 {strides = array<i32>} : memref<2x128xi32, #tpu.memory_space<vmem>>, vector<16xi32>,
            tpu.vector_store_idx %arg12[%and3A_131], %broadcast_in_dim3A_7 {add = true} : memref<10112xf32, #tpu.memory_space<vmem>>[vector<16xi32>], vector<16xf32>,
          }
          %scan3A_109 = arith.constant 8 : i32
          %dma_start3A = arith.constant 1 : i32
          %dma_start3A_110 = arith.constant 1 : i32
          %dma_start3A_111 = arith.constant 0 : i32
          %dma_start3A_112 = arith.constant 0 : i32
          %dma_start3A_113 = tpu.memref_slice %arg11[%dma_start3A_110, %dma_start3A_111, %dma_start3A_112] : memref<2x128x128xf32, #tpu.memory_space<vmem>> -> memref<1x128x128xf32, #tpu.memory_space<vmem>>
          %dma_start3A_114 = tpu.memref_squeeze %dma_start3A_113 : memref<1x128x128xf32, #tpu.memory_space<vmem>> -> memref<128x128xf32, #tpu.memory_space<vmem>>
          %dma_start3A_115 = arith.constant 0 : i32
          %dma_start3A_116 = tpu.memref_slice %arg9[%dma_start3A, %dma_start3A_115] : memref<2x128xi32, #tpu.memory_space<vmem>> -> memref<1x128xi32, #tpu.memory_space<vmem>>
          %dma_start3A_117 = tpu.memref_squeeze %dma_start3A_116 : memref<1x128xi32, #tpu.memory_space<vmem>> -> memref<128xi32, #tpu.memory_space<vmem>>
          %dma_start3A_118 = arith.constant 0 : i32
          %dma_start3A_119 = arith.constant 0 : i32
          %dma_start3A_120 = tpu.memref_slice %arg2[%dma_start3A_118, %dma_start3A_119] : memref<10000x128xf32, #tpu.memory_space<hbm>> -> memref<10000x128xf32, #tpu.memory_space<hbm>>
          tpu.enqueue_indirect_dma source(%dma_start3A_120 : memref<10000x128xf32, #tpu.memory_space<hbm>>) target(%dma_start3A_114 : memref<128x128xf32, #tpu.memory_space<vmem>>) offsets(%dma_start3A_117 : memref<128xi32, #tpu.memory_space<vmem>>) semaphore(%arg15 : memref<!tpu.dma_semaphore, #tpu.memory_space<semaphore_mem>>)
        } else {
        }
      }
      %while3A_71 = arith.constant 1 : i32
      scf.for %while3A_72 = %while3A_69 to %while3A_65 step %while3A_71  : i32 {
        %mul3A_73 = arith.muli %while3A_72, %while3A_61 : i32
        %add3A_74 = arith.addi %while3A_62, %mul3A_73 : i32
        %dma_wait3A = arith.constant 0 : i32
        %dma_wait3A_75 = arith.constant 0 : i32
        %dma_wait3A_76 = arith.constant 0 : i32
        %dma_wait3A_77 = arith.constant 0 : i32
        %dma_wait3A_78 = tpu.memref_slice %arg11[%dma_wait3A_75, %dma_wait3A_76, %dma_wait3A_77] : memref<2x128x128xf32, #tpu.memory_space<vmem>> -> memref<1x128x128xf32, #tpu.memory_space<vmem>>
        %dma_wait3A_79 = tpu.memref_squeeze %dma_wait3A_78 : memref<1x128x128xf32, #tpu.memory_space<vmem>> -> memref<128x128xf32, #tpu.memory_space<vmem>>
        %dma_wait3A_80 = arith.constant 0 : i32
        %dma_wait3A_81 = tpu.memref_slice %arg9[%dma_wait3A, %dma_wait3A_80] : memref<2x128xi32, #tpu.memory_space<vmem>> -> memref<1x128xi32, #tpu.memory_space<vmem>>
        %dma_wait3A_82 = tpu.memref_squeeze %dma_wait3A_81 : memref<1x128xi32, #tpu.memory_space<vmem>> -> memref<128xi32, #tpu.memory_space<vmem>>
        %dma_wait3A_83 = arith.constant 0 : i32
        %dma_wait3A_84 = arith.constant 0 : i32
        %dma_wait3A_85 = tpu.memref_slice %arg2[%dma_wait3A_83, %dma_wait3A_84] : memref<10000x128xf32, #tpu.memory_space<hbm>> -> memref<10000x128xf32, #tpu.memory_space<hbm>>
        tpu.wait_indirect_dma semaphore(%arg14 : memref<!tpu.dma_semaphore, #tpu.memory_space<semaphore_mem>>) src(%dma_wait3A_85 : memref<10000x128xf32, #tpu.memory_space<hbm>>) dst(%dma_wait3A_79 : memref<128x128xf32, #tpu.memory_space<vmem>>)
        %run_scoped3A = arith.constant 0 : i32
        %run_scoped3A_86 = arith.constant 0 : i32
        "tpu.region"() ({
          %run_scoped3A_104 = tpu.sem_alloc : memref<!tpu.dma_semaphore, #tpu.memory_space<semaphore_mem>>
          %dma_start3A = arith.constant 0 : i32
          %dma_start3A_105 = arith.constant 0 : i32
          %dma_start3A_106 = tpu.memref_slice %arg11[%run_scoped3A, %dma_start3A, %dma_start3A_105] : memref<2x128x128xf32, #tpu.memory_space<vmem>> -> memref<1x128x128xf32, #tpu.memory_space<vmem>>
          %dma_start3A_107 = tpu.memref_squeeze %dma_start3A_106 : memref<1x128x128xf32, #tpu.memory_space<vmem>> -> memref<128x128xf32, #tpu.memory_space<vmem>>
          %dma_start3A_108 = arith.constant 0 : i32
          %dma_start3A_109 = tpu.memref_slice %arg10[%run_scoped3A_86, %dma_start3A_108] : memref<2x128xi32, #tpu.memory_space<vmem>> -> memref<1x128xi32, #tpu.memory_space<vmem>>
          %dma_start3A_110 = tpu.memref_squeeze %dma_start3A_109 : memref<1x128xi32, #tpu.memory_space<vmem>> -> memref<128xi32, #tpu.memory_space<vmem>>
          %dma_start3A_111 = arith.constant 0 : i32
          %dma_start3A_112 = arith.constant 0 : i32
          %dma_start3A_113 = tpu.memref_slice %arg13[%dma_start3A_111, %dma_start3A_112] : memref<10112x128xf32, #tpu.memory_space<vmem_shared>> -> memref<10112x128xf32, #tpu.memory_space<vmem_shared>>
          tpu.enqueue_indirect_dma source(%dma_start3A_107 : memref<128x128xf32, #tpu.memory_space<vmem>>) target(%dma_start3A_113 : memref<10112x128xf32, #tpu.memory_space<vmem_shared>>) offsets(%dma_start3A_110 : memref<128xi32, #tpu.memory_space<vmem>>) semaphore(%run_scoped3A_104 : memref<!tpu.dma_semaphore, #tpu.memory_space<semaphore_mem>>) {add = true}
          %dma_wait3A_114 = arith.constant 0 : i32
          %dma_wait3A_115 = arith.constant 0 : i32
          %dma_wait3A_116 = tpu.memref_slice %arg11[%run_scoped3A, %dma_wait3A_114, %dma_wait3A_115] : memref<2x128x128xf32, #tpu.memory_space<vmem>> -> memref<1x128x128xf32, #tpu.memory_space<vmem>>
          %dma_wait3A_117 = tpu.memref_squeeze %dma_wait3A_116 : memref<1x128x128xf32, #tpu.memory_space<vmem>> -> memref<128x128xf32, #tpu.memory_space<vmem>>
          %dma_wait3A_118 = arith.constant 0 : i32
          %dma_wait3A_119 = tpu.memref_slice %arg10[%run_scoped3A_86, %dma_wait3A_118] : memref<2x128xi32, #tpu.memory_space<vmem>> -> memref<1x128xi32, #tpu.memory_space<vmem>>
          %dma_wait3A_120 = tpu.memref_squeeze %dma_wait3A_119 : memref<1x128xi32, #tpu.memory_space<vmem>> -> memref<128xi32, #tpu.memory_space<vmem>>
          %dma_wait3A_121 = arith.constant 0 : i32
          %dma_wait3A_122 = arith.constant 0 : i32
          %dma_wait3A_123 = tpu.memref_slice %arg13[%dma_wait3A_121, %dma_wait3A_122] : memref<10112x128xf32, #tpu.memory_space<vmem_shared>> -> memref<10112x128xf32, #tpu.memory_space<vmem_shared>>
          tpu.wait_indirect_dma semaphore(%run_scoped3A_104 : memref<!tpu.dma_semaphore, #tpu.memory_space<semaphore_mem>>) src(%dma_wait3A_117 : memref<128x128xf32, #tpu.memory_space<vmem>>) dst(%dma_wait3A_123 : memref<10112x128xf32, #tpu.memory_space<vmem_shared>>)
          tpu.yield
        }) : () -> ()
        %add3A_87 = arith.constant 2 : i32
        %add3A_88 = arith.addi %add3A_74, %add3A_87 : i32
        %lt3A = arith.cmpi slt, %add3A_88, %sub3A_40 : i32
        %convert_element_type3A_89 = arith.extui %lt3A : i1 to i32
        %cond3A_90 = arith.constant 0 : i32
        %cond3A_91 = arith.cmpi ne, %convert_element_type3A_89, %cond3A_90 : i32
        scf.if %cond3A_91 {
          %add3A_104 = arith.constant 2 : i32
          %add3A_105 = arith.addi %add3A_74, %add3A_104 : i32
          %scan3A = arith.constant 0 : i32
          %scan3A_106 = arith.constant 8 : i32
          %scan3A_107 = arith.addi %scan3A, %scan3A_106 : i32
          %scan3A_108 = arith.constant 1 : i32
          scf.for %scan3A_121 = %scan3A to %scan3A_107 step %scan3A_108  : i32 {
            %mul3A_122 = arith.constant 1 : i32
            %mul3A_123 = arith.muli %scan3A_121, %mul3A_122 : i32
            %add3A_124 = arith.constant 0 : i32
            %add3A_125 = arith.addi %add3A_124, %mul3A_123 : i32
            %mul3A_126 = arith.constant 16 : i32
            %mul3A_127 = arith.muli %add3A_125, %mul3A_126 : i32
            %get3A = arith.index_cast %add3A_105 : i32 to index
            %get3A_128 = arith.index_cast %mul3A_127 : i32 to index
            %get3A_129 = tpu.vector_load %arg8[%get3A, %get3A_128] {strides = array<i32>} : memref<48x128xi32, #tpu.memory_space<vmem>>, vector<16xi32>,
            %and3A = arith.constant 16383 : i32
            %and3A_130 = vector.broadcast %and3A : i32 to vector<16xi32>
            %and3A_131 = arith.andi %get3A_129, %and3A_130 : vector<16xi32>
            %shift_right_logical3A = arith.constant 14 : i32
            %shift_right_logical3A_132 = vector.broadcast %shift_right_logical3A : i32 to vector<16xi32>
            %shift_right_logical3A_133 = arith.shrui %get3A_129, %shift_right_logical3A_132 : vector<16xi32>
            %mul3A_134 = arith.constant 16 : i32
            %mul3A_135 = arith.muli %add3A_125, %mul3A_134 : i32
            %swap3A = arith.constant 0 : i32
            %swap3A_136 = arith.index_cast %swap3A : i32 to index
            %swap3A_137 = arith.index_cast %mul3A_135 : i32 to index
            %swap3A_138 = tpu.vector_load %arg9[%swap3A_136, %swap3A_137] {strides = array<i32>} : memref<2x128xi32, #tpu.memory_space<vmem>>, vector<16xi32>,
            tpu.vector_store %arg9[%swap3A_136, %swap3A_137], %shift_right_logical3A_133 {strides = array<i32>} : memref<2x128xi32, #tpu.memory_space<vmem>>, vector<16xi32>,
            %mul3A_139 = arith.constant 16 : i32
            %mul3A_140 = arith.muli %add3A_125, %mul3A_139 : i32
            %swap3A_141 = arith.constant 0 : i32
            %swap3A_142 = arith.index_cast %swap3A_141 : i32 to index
            %swap3A_143 = arith.index_cast %mul3A_140 : i32 to index
            %swap3A_144 = tpu.vector_load %arg10[%swap3A_142, %swap3A_143] {strides = array<i32>} : memref<2x128xi32, #tpu.memory_space<vmem>>, vector<16xi32>,
            tpu.vector_store %arg10[%swap3A_142, %swap3A_143], %and3A_131 {strides = array<i32>} : memref<2x128xi32, #tpu.memory_space<vmem>>, vector<16xi32>,
            tpu.vector_store_idx %arg12[%and3A_131], %broadcast_in_dim3A_7 {add = true} : memref<10112xf32, #tpu.memory_space<vmem>>[vector<16xi32>], vector<16xf32>,
          }
          %scan3A_109 = arith.constant 8 : i32
          %dma_start3A = arith.constant 0 : i32
          %dma_start3A_110 = arith.constant 0 : i32
          %dma_start3A_111 = arith.constant 0 : i32
          %dma_start3A_112 = arith.constant 0 : i32
          %dma_start3A_113 = tpu.memref_slice %arg11[%dma_start3A_110, %dma_start3A_111, %dma_start3A_112] : memref<2x128x128xf32, #tpu.memory_space<vmem>> -> memref<1x128x128xf32, #tpu.memory_space<vmem>>
          %dma_start3A_114 = tpu.memref_squeeze %dma_start3A_113 : memref<1x128x128xf32, #tpu.memory_space<vmem>> -> memref<128x128xf32, #tpu.memory_space<vmem>>
          %dma_start3A_115 = arith.constant 0 : i32
          %dma_start3A_116 = tpu.memref_slice %arg9[%dma_start3A, %dma_start3A_115] : memref<2x128xi32, #tpu.memory_space<vmem>> -> memref<1x128xi32, #tpu.memory_space<vmem>>
          %dma_start3A_117 = tpu.memref_squeeze %dma_start3A_116 : memref<1x128xi32, #tpu.memory_space<vmem>> -> memref<128xi32, #tpu.memory_space<vmem>>
          %dma_start3A_118 = arith.constant 0 : i32
          %dma_start3A_119 = arith.constant 0 : i32
          %dma_start3A_120 = tpu.memref_slice %arg2[%dma_start3A_118, %dma_start3A_119] : memref<10000x128xf32, #tpu.memory_space<hbm>> -> memref<10000x128xf32, #tpu.memory_space<hbm>>
          tpu.enqueue_indirect_dma source(%dma_start3A_120 : memref<10000x128xf32, #tpu.memory_space<hbm>>) target(%dma_start3A_114 : memref<128x128xf32, #tpu.memory_space<vmem>>) offsets(%dma_start3A_117 : memref<128xi32, #tpu.memory_space<vmem>>) semaphore(%arg14 : memref<!tpu.dma_semaphore, #tpu.memory_space<semaphore_mem>>)
        } else {
        }
        %add3A_92 = arith.constant 1 : i32
        %add3A_93 = arith.addi %add3A_74, %add3A_92 : i32
        %lt3A_94 = arith.cmpi slt, %add3A_93, %sub3A_40 : i32
        %convert_element_type3A_95 = arith.extui %lt3A_94 : i1 to i32
        %cond3A_96 = arith.constant 0 : i32
        %cond3A_97 = arith.cmpi ne, %convert_element_type3A_95, %cond3A_96 : i32
        scf.if %cond3A_97 {
          %dma_wait3A_104 = arith.constant 1 : i32
          %dma_wait3A_105 = arith.constant 1 : i32
          %dma_wait3A_106 = arith.constant 0 : i32
          %dma_wait3A_107 = arith.constant 0 : i32
          %dma_wait3A_108 = tpu.memref_slice %arg11[%dma_wait3A_105, %dma_wait3A_106, %dma_wait3A_107] : memref<2x128x128xf32, #tpu.memory_space<vmem>> -> memref<1x128x128xf32, #tpu.memory_space<vmem>>
          %dma_wait3A_109 = tpu.memref_squeeze %dma_wait3A_108 : memref<1x128x128xf32, #tpu.memory_space<vmem>> -> memref<128x128xf32, #tpu.memory_space<vmem>>
          %dma_wait3A_110 = arith.constant 0 : i32
          %dma_wait3A_111 = tpu.memref_slice %arg9[%dma_wait3A_104, %dma_wait3A_110] : memref<2x128xi32, #tpu.memory_space<vmem>> -> memref<1x128xi32, #tpu.memory_space<vmem>>
          %dma_wait3A_112 = tpu.memref_squeeze %dma_wait3A_111 : memref<1x128xi32, #tpu.memory_space<vmem>> -> memref<128xi32, #tpu.memory_space<vmem>>
          %dma_wait3A_113 = arith.constant 0 : i32
          %dma_wait3A_114 = arith.constant 0 : i32
          %dma_wait3A_115 = tpu.memref_slice %arg2[%dma_wait3A_113, %dma_wait3A_114] : memref<10000x128xf32, #tpu.memory_space<hbm>> -> memref<10000x128xf32, #tpu.memory_space<hbm>>
          tpu.wait_indirect_dma semaphore(%arg15 : memref<!tpu.dma_semaphore, #tpu.memory_space<semaphore_mem>>) src(%dma_wait3A_115 : memref<10000x128xf32, #tpu.memory_space<hbm>>) dst(%dma_wait3A_109 : memref<128x128xf32, #tpu.memory_space<vmem>>)
          %run_scoped3A_116 = arith.constant 1 : i32
          %run_scoped3A_117 = arith.constant 1 : i32
          "tpu.region"() ({
            %run_scoped3A_118 = tpu.sem_alloc : memref<!tpu.dma_semaphore, #tpu.memory_space<semaphore_mem>>
            %dma_start3A = arith.constant 0 : i32
            %dma_start3A_119 = arith.constant 0 : i32
            %dma_start3A_120 = tpu.memref_slice %arg11[%run_scoped3A_116, %dma_start3A, %dma_start3A_119] : memref<2x128x128xf32, #tpu.memory_space<vmem>> -> memref<1x128x128xf32, #tpu.memory_space<vmem>>
            %dma_start3A_121 = tpu.memref_squeeze %dma_start3A_120 : memref<1x128x128xf32, #tpu.memory_space<vmem>> -> memref<128x128xf32, #tpu.memory_space<vmem>>
            %dma_start3A_122 = arith.constant 0 : i32
            %dma_start3A_123 = tpu.memref_slice %arg10[%run_scoped3A_117, %dma_start3A_122] : memref<2x128xi32, #tpu.memory_space<vmem>> -> memref<1x128xi32, #tpu.memory_space<vmem>>
            %dma_start3A_124 = tpu.memref_squeeze %dma_start3A_123 : memref<1x128xi32, #tpu.memory_space<vmem>> -> memref<128xi32, #tpu.memory_space<vmem>>
            %dma_start3A_125 = arith.constant 0 : i32
            %dma_start3A_126 = arith.constant 0 : i32
            %dma_start3A_127 = tpu.memref_slice %arg13[%dma_start3A_125, %dma_start3A_126] : memref<10112x128xf32, #tpu.memory_space<vmem_shared>> -> memref<10112x128xf32, #tpu.memory_space<vmem_shared>>
            tpu.enqueue_indirect_dma source(%dma_start3A_121 : memref<128x128xf32, #tpu.memory_space<vmem>>) target(%dma_start3A_127 : memref<10112x128xf32, #tpu.memory_space<vmem_shared>>) offsets(%dma_start3A_124 : memref<128xi32, #tpu.memory_space<vmem>>) semaphore(%run_scoped3A_118 : memref<!tpu.dma_semaphore, #tpu.memory_space<semaphore_mem>>) {add = true}
            %dma_wait3A_128 = arith.constant 0 : i32
            %dma_wait3A_129 = arith.constant 0 : i32
            %dma_wait3A_130 = tpu.memref_slice %arg11[%run_scoped3A_116, %dma_wait3A_128, %dma_wait3A_129] : memref<2x128x128xf32, #tpu.memory_space<vmem>> -> memref<1x128x128xf32, #tpu.memory_space<vmem>>
            %dma_wait3A_131 = tpu.memref_squeeze %dma_wait3A_130 : memref<1x128x128xf32, #tpu.memory_space<vmem>> -> memref<128x128xf32, #tpu.memory_space<vmem>>
            %dma_wait3A_132 = arith.constant 0 : i32
            %dma_wait3A_133 = tpu.memref_slice %arg10[%run_scoped3A_117, %dma_wait3A_132] : memref<2x128xi32, #tpu.memory_space<vmem>> -> memref<1x128xi32, #tpu.memory_space<vmem>>
            %dma_wait3A_134 = tpu.memref_squeeze %dma_wait3A_133 : memref<1x128xi32, #tpu.memory_space<vmem>> -> memref<128xi32, #tpu.memory_space<vmem>>
            %dma_wait3A_135 = arith.constant 0 : i32
            %dma_wait3A_136 = arith.constant 0 : i32
            %dma_wait3A_137 = tpu.memref_slice %arg13[%dma_wait3A_135, %dma_wait3A_136] : memref<10112x128xf32, #tpu.memory_space<vmem_shared>> -> memref<10112x128xf32, #tpu.memory_space<vmem_shared>>
            tpu.wait_indirect_dma semaphore(%run_scoped3A_118 : memref<!tpu.dma_semaphore, #tpu.memory_space<semaphore_mem>>) src(%dma_wait3A_131 : memref<128x128xf32, #tpu.memory_space<vmem>>) dst(%dma_wait3A_137 : memref<10112x128xf32, #tpu.memory_space<vmem_shared>>)
            tpu.yield
          }) : () -> ()
        } else {
        }
        %add3A_98 = arith.constant 3 : i32
        %add3A_99 = arith.addi %add3A_74, %add3A_98 : i32
        %lt3A_100 = arith.cmpi slt, %add3A_99, %sub3A_40 : i32
        %convert_element_type3A_101 = arith.extui %lt3A_100 : i1 to i32
        %cond3A_102 = arith.constant 0 : i32
        %cond3A_103 = arith.cmpi ne, %convert_element_type3A_101, %cond3A_102 : i32
        scf.if %cond3A_103 {
          %add3A_104 = arith.constant 3 : i32
          %add3A_105 = arith.addi %add3A_74, %add3A_104 : i32
          %scan3A = arith.constant 0 : i32
          %scan3A_106 = arith.constant 8 : i32
          %scan3A_107 = arith.addi %scan3A, %scan3A_106 : i32
          %scan3A_108 = arith.constant 1 : i32
          scf.for %scan3A_121 = %scan3A to %scan3A_107 step %scan3A_108  : i32 {
            %mul3A_122 = arith.constant 1 : i32
            %mul3A_123 = arith.muli %scan3A_121, %mul3A_122 : i32
            %add3A_124 = arith.constant 0 : i32
            %add3A_125 = arith.addi %add3A_124, %mul3A_123 : i32
            %mul3A_126 = arith.constant 16 : i32
            %mul3A_127 = arith.muli %add3A_125, %mul3A_126 : i32
            %get3A = arith.index_cast %add3A_105 : i32 to index
            %get3A_128 = arith.index_cast %mul3A_127 : i32 to index
            %get3A_129 = tpu.vector_load %arg8[%get3A, %get3A_128] {strides = array<i32>} : memref<48x128xi32, #tpu.memory_space<vmem>>, vector<16xi32>,
            %and3A = arith.constant 16383 : i32
            %and3A_130 = vector.broadcast %and3A : i32 to vector<16xi32>
            %and3A_131 = arith.andi %get3A_129, %and3A_130 : vector<16xi32>
            %shift_right_logical3A = arith.constant 14 : i32
            %shift_right_logical3A_132 = vector.broadcast %shift_right_logical3A : i32 to vector<16xi32>
            %shift_right_logical3A_133 = arith.shrui %get3A_129, %shift_right_logical3A_132 : vector<16xi32>
            %mul3A_134 = arith.constant 16 : i32
            %mul3A_135 = arith.muli %add3A_125, %mul3A_134 : i32
            %swap3A = arith.constant 1 : i32
            %swap3A_136 = arith.index_cast %swap3A : i32 to index
            %swap3A_137 = arith.index_cast %mul3A_135 : i32 to index
            %swap3A_138 = tpu.vector_load %arg9[%swap3A_136, %swap3A_137] {strides = array<i32>} : memref<2x128xi32, #tpu.memory_space<vmem>>, vector<16xi32>,
            tpu.vector_store %arg9[%swap3A_136, %swap3A_137], %shift_right_logical3A_133 {strides = array<i32>} : memref<2x128xi32, #tpu.memory_space<vmem>>, vector<16xi32>,
            %mul3A_139 = arith.constant 16 : i32
            %mul3A_140 = arith.muli %add3A_125, %mul3A_139 : i32
            %swap3A_141 = arith.constant 1 : i32
            %swap3A_142 = arith.index_cast %swap3A_141 : i32 to index
            %swap3A_143 = arith.index_cast %mul3A_140 : i32 to index
            %swap3A_144 = tpu.vector_load %arg10[%swap3A_142, %swap3A_143] {strides = array<i32>} : memref<2x128xi32, #tpu.memory_space<vmem>>, vector<16xi32>,
            tpu.vector_store %arg10[%swap3A_142, %swap3A_143], %and3A_131 {strides = array<i32>} : memref<2x128xi32, #tpu.memory_space<vmem>>, vector<16xi32>,
            tpu.vector_store_idx %arg12[%and3A_131], %broadcast_in_dim3A_7 {add = true} : memref<10112xf32, #tpu.memory_space<vmem>>[vector<16xi32>], vector<16xf32>,
          }
          %scan3A_109 = arith.constant 8 : i32
          %dma_start3A = arith.constant 1 : i32
          %dma_start3A_110 = arith.constant 1 : i32
          %dma_start3A_111 = arith.constant 0 : i32
          %dma_start3A_112 = arith.constant 0 : i32
          %dma_start3A_113 = tpu.memref_slice %arg11[%dma_start3A_110, %dma_start3A_111, %dma_start3A_112] : memref<2x128x128xf32, #tpu.memory_space<vmem>> -> memref<1x128x128xf32, #tpu.memory_space<vmem>>
          %dma_start3A_114 = tpu.memref_squeeze %dma_start3A_113 : memref<1x128x128xf32, #tpu.memory_space<vmem>> -> memref<128x128xf32, #tpu.memory_space<vmem>>
          %dma_start3A_115 = arith.constant 0 : i32
          %dma_start3A_116 = tpu.memref_slice %arg9[%dma_start3A, %dma_start3A_115] : memref<2x128xi32, #tpu.memory_space<vmem>> -> memref<1x128xi32, #tpu.memory_space<vmem>>
          %dma_start3A_117 = tpu.memref_squeeze %dma_start3A_116 : memref<1x128xi32, #tpu.memory_space<vmem>> -> memref<128xi32, #tpu.memory_space<vmem>>
          %dma_start3A_118 = arith.constant 0 : i32
          %dma_start3A_119 = arith.constant 0 : i32
          %dma_start3A_120 = tpu.memref_slice %arg2[%dma_start3A_118, %dma_start3A_119] : memref<10000x128xf32, #tpu.memory_space<hbm>> -> memref<10000x128xf32, #tpu.memory_space<hbm>>
          tpu.enqueue_indirect_dma source(%dma_start3A_120 : memref<10000x128xf32, #tpu.memory_space<hbm>>) target(%dma_start3A_114 : memref<128x128xf32, #tpu.memory_space<vmem>>) offsets(%dma_start3A_117 : memref<128xi32, #tpu.memory_space<vmem>>) semaphore(%arg15 : memref<!tpu.dma_semaphore, #tpu.memory_space<semaphore_mem>>)
        } else {
        }
      }
    } else {
    }
    %barrier3A_38 = arith.constant 0 : index
    tpu.barrier barrier_id(%barrier3A_38)
    "tpu.region"() ({
      %run_scoped3A = tpu.sem_alloc : memref<!tpu.dma_semaphore, #tpu.memory_space<semaphore_mem>>
      %dma_start3A = arith.constant 0 : i32
      %dma_start3A_39 = tpu.memref_slice %arg6[%arg0, %mul3A_6, %dma_start3A] : memref<2x10112x128xf32, #tpu.memory_space<hbm>> -> memref<1x632x128xf32, #tpu.memory_space<hbm>>
      %dma_start3A_40 = tpu.memref_squeeze %dma_start3A_39 : memref<1x632x128xf32, #tpu.memory_space<hbm>> -> memref<632x128xf32, #tpu.memory_space<hbm>>
      %dma_start3A_41 = arith.constant 0 : i32
      %dma_start3A_42 = tpu.memref_slice %arg13[%mul3A_6, %dma_start3A_41] : memref<10112x128xf32, #tpu.memory_space<vmem_shared>> -> memref<632x128xf32, #tpu.memory_space<vmem_shared>>
      tpu.enqueue_dma source(%dma_start3A_42 : memref<632x128xf32, #tpu.memory_space<vmem_shared>>) target(%dma_start3A_40 : memref<632x128xf32, #tpu.memory_space<hbm>>) target_semaphore(%run_scoped3A : memref<!tpu.dma_semaphore, #tpu.memory_space<semaphore_mem>>)
      %dma_wait3A = arith.constant 0 : i32
      %dma_wait3A_43 = tpu.memref_slice %arg6[%arg0, %mul3A_6, %dma_wait3A] : memref<2x10112x128xf32, #tpu.memory_space<hbm>> -> memref<1x632x128xf32, #tpu.memory_space<hbm>>
      %dma_wait3A_44 = tpu.memref_squeeze %dma_wait3A_43 : memref<1x632x128xf32, #tpu.memory_space<hbm>> -> memref<632x128xf32, #tpu.memory_space<hbm>>
      %dma_wait3A_45 = arith.constant 0 : i32
      %dma_wait3A_46 = tpu.memref_slice %arg13[%mul3A_6, %dma_wait3A_45] : memref<10112x128xf32, #tpu.memory_space<vmem_shared>> -> memref<632x128xf32, #tpu.memory_space<vmem_shared>>
      tpu.wait_dma2 semaphore(%run_scoped3A : memref<!tpu.dma_semaphore, #tpu.memory_space<semaphore_mem>>) src(%dma_wait3A_46 : memref<632x128xf32, #tpu.memory_space<vmem_shared>>) dst(%dma_wait3A_44 : memref<632x128xf32, #tpu.memory_space<hbm>>)
      tpu.yield
    }) : () -> ()
    "tpu.region"() ({
      %run_scoped3A = tpu.sem_alloc : memref<!tpu.dma_semaphore, #tpu.memory_space<semaphore_mem>>
      %dma_start3A = arith.constant 0 : i32
      %dma_start3A_39 = tpu.memref_slice %arg7[%add3A, %dma_start3A] : memref<32x10112xf32, #tpu.memory_space<hbm>> -> memref<1x10112xf32, #tpu.memory_space<hbm>>
      %dma_start3A_40 = tpu.memref_squeeze %dma_start3A_39 : memref<1x10112xf32, #tpu.memory_space<hbm>> -> memref<10112xf32, #tpu.memory_space<hbm>>
      %dma_start3A_41 = arith.constant 0 : i32
      %dma_start3A_42 = tpu.memref_slice %arg7[%add3A, %dma_start3A_41] : memref<32x10112xf32, #tpu.memory_space<hbm>> -> memref<1x10112xf32, #tpu.memory_space<hbm>>
      %dma_start3A_43 = tpu.memref_squeeze %dma_start3A_42 : memref<1x10112xf32, #tpu.memory_space<hbm>> -> memref<10112xf32, #tpu.memory_space<hbm>>
      tpu.enqueue_dma source(%arg12 : memref<10112xf32, #tpu.memory_space<vmem>>) target(%dma_start3A_43 : memref<10112xf32, #tpu.memory_space<hbm>>) target_semaphore(%run_scoped3A : memref<!tpu.dma_semaphore, #tpu.memory_space<semaphore_mem>>)
      %dma_wait3A = arith.constant 0 : i32
      %dma_wait3A_44 = tpu.memref_slice %arg7[%add3A, %dma_wait3A] : memref<32x10112xf32, #tpu.memory_space<hbm>> -> memref<1x10112xf32, #tpu.memory_space<hbm>>
      %dma_wait3A_45 = tpu.memref_squeeze %dma_wait3A_44 : memref<1x10112xf32, #tpu.memory_space<hbm>> -> memref<10112xf32, #tpu.memory_space<hbm>>
      %dma_wait3A_46 = arith.constant 0 : i32
      %dma_wait3A_47 = tpu.memref_slice %arg7[%add3A, %dma_wait3A_46] : memref<32x10112xf32, #tpu.memory_space<hbm>> -> memref<1x10112xf32, #tpu.memory_space<hbm>>
      %dma_wait3A_48 = tpu.memref_squeeze %dma_wait3A_47 : memref<1x10112xf32, #tpu.memory_space<hbm>> -> memref<10112xf32, #tpu.memory_space<hbm>>
      tpu.wait_dma2 semaphore(%run_scoped3A : memref<!tpu.dma_semaphore, #tpu.memory_space<semaphore_mem>>) src(%arg12 : memref<10112xf32, #tpu.memory_space<vmem>>) dst(%dma_wait3A_48 : memref<10112xf32, #tpu.memory_space<hbm>>)
      tpu.yield
    }) : () -> ()
    return
  }
}

module attributes {stable_mosaic.version = 14 : i64} {
  func.func @_tail_body(%arg0: i32, %arg1: memref<2x2000x128xf32, #tpu.memory_space<vmem>>, %arg2: memref<2000x32xf32, #tpu.memory_space<vmem>>, %arg3: memref<2000x1xf32, #tpu.memory_space<vmem>>, %arg4: memref<128x128xf32, #tpu.memory_space<vmem>>, %arg5: memref<1x128xf32, #tpu.memory_space<vmem>>, %arg6: memref<128x128xf32, #tpu.memory_space<vmem>>, %arg7: memref<1x128xf32, #tpu.memory_space<vmem>>, %arg8: memref<1x128xf32, #tpu.memory_space<vmem>>, %arg9: memref<1x128xf32, #tpu.memory_space<vmem>>, %arg10: memref<1x128xf32, #tpu.memory_space<vmem>>, %arg11: memref<2000x128xf32, #tpu.memory_space<vmem>>) attributes {dimension_semantics = [#tpu.dimension_semantics<arbitrary>], iteration_bounds = array<i64: 5>, scalar_prefetch = 0 : i64, scratch_operands = 0 : i64, tpu.core_type = #tpu.core_type<tc>, window_params = [{transform_indices = @transform_0, window_bounds = array<i64: 2, 2000, 128>}, {transform_indices = @transform_1, window_bounds = array<i64: 2000, 32>}, {transform_indices = @transform_2, window_bounds = array<i64: 2000, 1>}, {pipeline_mode = #tpu.pipeline_mode<synchronous>, transform_indices = @transform_3, window_bounds = array<i64: 128, 128>}, {pipeline_mode = #tpu.pipeline_mode<synchronous>, transform_indices = @transform_4, window_bounds = array<i64: 1, 128>}, {pipeline_mode = #tpu.pipeline_mode<synchronous>, transform_indices = @transform_5, window_bounds = array<i64: 128, 128>}, {pipeline_mode = #tpu.pipeline_mode<synchronous>, transform_indices = @transform_6, window_bounds = array<i64: 1, 128>}, {pipeline_mode = #tpu.pipeline_mode<synchronous>, transform_indices = @transform_7, window_bounds = array<i64: 1, 128>}, {pipeline_mode = #tpu.pipeline_mode<synchronous>, transform_indices = @transform_8, window_bounds = array<i64: 1, 128>}, {pipeline_mode = #tpu.pipeline_mode<synchronous>, transform_indices = @transform_9, window_bounds = array<i64: 1, 128>}, {transform_indices = @transform_10, window_bounds = array<i64: 2000, 128>}]} {
    %get3A = arith.constant 0 : index
    %get3A_0 = arith.constant 0 : index
    %get3A_1 = arith.constant 0 : index
    %get3A_2 = vector.load %arg1[%get3A, %get3A_0, %get3A_1] : memref<2x2000x128xf32, #tpu.memory_space<vmem>>, vector<1x2000x128xf32>
    %get3A_3 = vector.shape_cast %get3A_2 : vector<1x2000x128xf32> to vector<2000x128xf32>
    %get3A_4 = arith.constant 1 : index
    %get3A_5 = arith.constant 0 : index
    %get3A_6 = arith.constant 0 : index
    %get3A_7 = vector.load %arg1[%get3A_4, %get3A_5, %get3A_6] : memref<2x2000x128xf32, #tpu.memory_space<vmem>>, vector<1x2000x128xf32>
    %get3A_8 = vector.shape_cast %get3A_7 : vector<1x2000x128xf32> to vector<2000x128xf32>
    %add3A = arith.addf %get3A_3, %get3A_8 : vector<2000x128xf32>
    %get3A_9 = arith.constant 0 : index
    %get3A_10 = arith.constant 0 : index
    %get3A_11 = vector.load %arg2[%get3A_9, %get3A_10] : memref<2000x32xf32, #tpu.memory_space<vmem>>, vector<2000x32xf32>
    %reduce_sum3A = arith.constant dense<0.000000e+00> : vector<2000xf32>
    %reduce_sum3A_12 = vector.multi_reduction <add>, %get3A_11, %reduce_sum3A [1] : vector<2000x32xf32> to vector<2000xf32>
    %broadcast_in_dim3A = vector.shape_cast %reduce_sum3A_12 : vector<2000xf32> to vector<2000x1xf32>
    %get3A_13 = arith.constant 0 : index
    %get3A_14 = arith.constant 0 : index
    %get3A_15 = vector.load %arg4[%get3A_13, %get3A_14] : memref<128x128xf32, #tpu.memory_space<vmem>>, vector<128x128xf32>
    %dot_general3A = arith.constant dense<0.000000e+00> : vector<2000x128xf32>
    %dot_general3A_16 = tpu.matmul %add3A, %get3A_15, %dot_general3A {dimension_numbers = #tpu.dot_dimension_numbers<[1], [0], [0], [1], [0, 0, 1, 1], [], []>, transpose_lhs_hint = false} : vector<2000x128xf32>, vector<128x128xf32>, vector<2000x128xf32> -> vector<2000x128xf32>
    %get3A_17 = arith.constant 0 : index
    %get3A_18 = arith.constant 0 : index
    %get3A_19 = vector.load %arg5[%get3A_17, %get3A_18] : memref<1x128xf32, #tpu.memory_space<vmem>>, vector<1x128xf32>
    %mul3A = vector.broadcast %broadcast_in_dim3A : vector<2000x1xf32> to vector<2000x128xf32>
    %mul3A_20 = vector.broadcast %get3A_19 : vector<1x128xf32> to vector<2000x128xf32>
    %mul3A_21 = arith.mulf %mul3A, %mul3A_20 : vector<2000x128xf32>
    %add3A_22 = arith.addf %dot_general3A_16, %mul3A_21 : vector<2000x128xf32>
    %add3A_23 = arith.constant 9.99999997E-7 : f32
    %add3A_24 = vector.broadcast %add3A_23 : f32 to vector<2000x1xf32>
    %add3A_25 = arith.addf %broadcast_in_dim3A, %add3A_24 : vector<2000x1xf32>
    %div3A = vector.broadcast %add3A_25 : vector<2000x1xf32> to vector<2000x128xf32>
    %div3A_26 = arith.divf %add3A_22, %div3A : vector<2000x128xf32>
    %get3A_27 = arith.constant 0 : index
    %get3A_28 = arith.constant 0 : index
    %get3A_29 = vector.load %arg6[%get3A_27, %get3A_28] : memref<128x128xf32, #tpu.memory_space<vmem>>, vector<128x128xf32>
    %dot_general3A_30 = arith.constant dense<0.000000e+00> : vector<2000x128xf32>
    %dot_general3A_31 = tpu.matmul %div3A_26, %get3A_29, %dot_general3A_30 {dimension_numbers = #tpu.dot_dimension_numbers<[1], [0], [0], [1], [0, 0, 1, 1], [], []>, transpose_lhs_hint = false} : vector<2000x128xf32>, vector<128x128xf32>, vector<2000x128xf32> -> vector<2000x128xf32>
    %get3A_32 = arith.constant 0 : index
    %get3A_33 = arith.constant 0 : index
    %get3A_34 = vector.load %arg3[%get3A_32, %get3A_33] : memref<2000x1xf32, #tpu.memory_space<vmem>>, vector<2000x1xf32>
    %get3A_35 = arith.constant 0 : index
    %get3A_36 = arith.constant 0 : index
    %get3A_37 = vector.load %arg7[%get3A_35, %get3A_36] : memref<1x128xf32, #tpu.memory_space<vmem>>, vector<1x128xf32>
    %mul3A_38 = vector.broadcast %get3A_34 : vector<2000x1xf32> to vector<2000x128xf32>
    %mul3A_39 = vector.broadcast %get3A_37 : vector<1x128xf32> to vector<2000x128xf32>
    %mul3A_40 = arith.mulf %mul3A_38, %mul3A_39 : vector<2000x128xf32>
    %add3A_41 = arith.addf %dot_general3A_31, %mul3A_40 : vector<2000x128xf32>
    %get3A_42 = arith.constant 0 : index
    %get3A_43 = arith.constant 0 : index
    %get3A_44 = vector.load %arg8[%get3A_42, %get3A_43] : memref<1x128xf32, #tpu.memory_space<vmem>>, vector<1x128xf32>
    %add3A_45 = vector.broadcast %get3A_44 : vector<1x128xf32> to vector<2000x128xf32>
    %add3A_46 = arith.addf %add3A_41, %add3A_45 : vector<2000x128xf32>
    %max3A = arith.constant 0.000000e+00 : f32
    %max3A_47 = vector.broadcast %max3A : f32 to vector<2000x128xf32>
    %max3A_48 = arith.maximumf %add3A_46, %max3A_47 : vector<2000x128xf32>
    %reduce_sum3A_49 = arith.constant dense<0.000000e+00> : vector<2000xf32>
    %reduce_sum3A_50 = vector.multi_reduction <add>, %max3A_48, %reduce_sum3A_49 [1] : vector<2000x128xf32> to vector<2000xf32>
    %broadcast_in_dim3A_51 = vector.shape_cast %reduce_sum3A_50 : vector<2000xf32> to vector<2000x1xf32>
    %div3A_52 = arith.constant 1.280000e+02 : f32
    %div3A_53 = vector.broadcast %div3A_52 : f32 to vector<2000x1xf32>
    %div3A_54 = arith.divf %broadcast_in_dim3A_51, %div3A_53 : vector<2000x1xf32>
    %sub3A = vector.broadcast %div3A_54 : vector<2000x1xf32> to vector<2000x128xf32>
    %sub3A_55 = arith.subf %max3A_48, %sub3A : vector<2000x128xf32>
    %integer_pow3A = arith.mulf %sub3A_55, %sub3A_55 : vector<2000x128xf32>
    %reduce_sum3A_56 = arith.constant dense<0.000000e+00> : vector<2000xf32>
    %reduce_sum3A_57 = vector.multi_reduction <add>, %integer_pow3A, %reduce_sum3A_56 [1] : vector<2000x128xf32> to vector<2000xf32>
    %broadcast_in_dim3A_58 = vector.shape_cast %reduce_sum3A_57 : vector<2000xf32> to vector<2000x1xf32>
    %div3A_59 = arith.constant 1.280000e+02 : f32
    %div3A_60 = vector.broadcast %div3A_59 : f32 to vector<2000x1xf32>
    %div3A_61 = arith.divf %broadcast_in_dim3A_58, %div3A_60 : vector<2000x1xf32>
    %sub3A_62 = vector.broadcast %div3A_54 : vector<2000x1xf32> to vector<2000x128xf32>
    %sub3A_63 = arith.subf %max3A_48, %sub3A_62 : vector<2000x128xf32>
    %add3A_64 = arith.constant 9.99999974E-6 : f32
    %add3A_65 = vector.broadcast %add3A_64 : f32 to vector<2000x1xf32>
    %add3A_66 = arith.addf %div3A_61, %add3A_65 : vector<2000x1xf32>
    %rsqrt3A = math.rsqrt %add3A_66 : vector<2000x1xf32>
    %mul3A_67 = vector.broadcast %rsqrt3A : vector<2000x1xf32> to vector<2000x128xf32>
    %mul3A_68 = arith.mulf %sub3A_63, %mul3A_67 : vector<2000x128xf32>
    %get3A_69 = arith.constant 0 : index
    %get3A_70 = arith.constant 0 : index
    %get3A_71 = vector.load %arg9[%get3A_69, %get3A_70] : memref<1x128xf32, #tpu.memory_space<vmem>>, vector<1x128xf32>
    %mul3A_72 = vector.broadcast %get3A_71 : vector<1x128xf32> to vector<2000x128xf32>
    %mul3A_73 = arith.mulf %mul3A_68, %mul3A_72 : vector<2000x128xf32>
    %get3A_74 = arith.constant 0 : index
    %get3A_75 = arith.constant 0 : index
    %get3A_76 = vector.load %arg10[%get3A_74, %get3A_75] : memref<1x128xf32, #tpu.memory_space<vmem>>, vector<1x128xf32>
    %add3A_77 = vector.broadcast %get3A_76 : vector<1x128xf32> to vector<2000x128xf32>
    %add3A_78 = arith.addf %mul3A_73, %add3A_77 : vector<2000x128xf32>
    %swap3A = arith.constant 0 : index
    %swap3A_79 = arith.constant 0 : index
    %swap3A_80 = vector.load %arg11[%swap3A, %swap3A_79] : memref<2000x128xf32, #tpu.memory_space<vmem>>, vector<2000x128xf32>
    tpu.vector_store %arg11[%swap3A, %swap3A_79], %add3A_78 {strides = array<i32>} : memref<2000x128xf32, #tpu.memory_space<vmem>>, vector<2000x128xf32>,
    return
  }
  func.func @transform_0(%arg0: i32) -> (i32, i32, i32) {
    %c0_i32 = arith.constant 0 : i32
    %c0_i32_0 = arith.constant 0 : i32
    %c0_i32_1 = arith.constant 0 : i32
    return %c0_i32, %arg0, %c0_i32_0 : i32, i32, i32
  }
  func.func @transform_1(%arg0: i32) -> (i32, i32) {
    %c0_i32 = arith.constant 0 : i32
    %c0_i32_0 = arith.constant 0 : i32
    return %arg0, %c0_i32 : i32, i32
  }
  func.func @transform_2(%arg0: i32) -> (i32, i32) {
    %c0_i32 = arith.constant 0 : i32
    %c0_i32_0 = arith.constant 0 : i32
    return %arg0, %c0_i32 : i32, i32
  }
  func.func @transform_3(%arg0: i32) -> (i32, i32) {
    %c0_i32 = arith.constant 0 : i32
    %c0_i32_0 = arith.constant 0 : i32
    %c0_i32_1 = arith.constant 0 : i32
    return %c0_i32, %c0_i32_0 : i32, i32
  }
  func.func @transform_4(%arg0: i32) -> (i32, i32) {
    %c0_i32 = arith.constant 0 : i32
    %c0_i32_0 = arith.constant 0 : i32
    %c0_i32_1 = arith.constant 0 : i32
    return %c0_i32, %c0_i32_0 : i32, i32
  }
  func.func @transform_5(%arg0: i32) -> (i32, i32) {
    %c0_i32 = arith.constant 0 : i32
    %c0_i32_0 = arith.constant 0 : i32
    %c0_i32_1 = arith.constant 0 : i32
    return %c0_i32, %c0_i32_0 : i32, i32
  }
  func.func @transform_6(%arg0: i32) -> (i32, i32) {
    %c0_i32 = arith.constant 0 : i32
    %c0_i32_0 = arith.constant 0 : i32
    %c0_i32_1 = arith.constant 0 : i32
    return %c0_i32, %c0_i32_0 : i32, i32
  }
  func.func @transform_7(%arg0: i32) -> (i32, i32) {
    %c0_i32 = arith.constant 0 : i32
    %c0_i32_0 = arith.constant 0 : i32
    %c0_i32_1 = arith.constant 0 : i32
    return %c0_i32, %c0_i32_0 : i32, i32
  }
  func.func @transform_8(%arg0: i32) -> (i32, i32) {
    %c0_i32 = arith.constant 0 : i32
    %c0_i32_0 = arith.constant 0 : i32
    %c0_i32_1 = arith.constant 0 : i32
    return %c0_i32, %c0_i32_0 : i32, i32
  }
  func.func @transform_9(%arg0: i32) -> (i32, i32) {
    %c0_i32 = arith.constant 0 : i32
    %c0_i32_0 = arith.constant 0 : i32
    %c0_i32_1 = arith.constant 0 : i32
    return %c0_i32, %c0_i32_0 : i32, i32
  }
  func.func @transform_10(%arg0: i32) -> (i32, i32) {
    %c0_i32 = arith.constant 0 : i32
    %c0_i32_0 = arith.constant 0 : i32
    return %arg0, %c0_i32 : i32, i32
  }
}

</mosaic_0001>

<sc_bundles>
// kernel: kernel.4.cloned.1.call-start
scs
__scs_entry_jumppad:
0x0: {  	(pc) =	sbr.rel $0x88, $3  }
0x1: {  	(tag) =	ssettag $0x0;
	lr =	simm.s32 $0x1  }
0x2: {  	[smem:$0x3F97] =	sst lr;
	_ =	strace $0xD0000000  }
0x3: {  	_ = 	snop  }
0x4: {  	_ = 	snop  }
0x5: {  	_ = 	snop  }
0x6: {  	_ = 	snop  }
0x7: {  	_ = 	snop  }
__scs_overlays_trampoline_lowered:
0x8: {  	[smem:$0x3FA6] =	sst s0  }
0x9: {  	[smem:$0x3FA7] =	sst s1  }
0xa: {  	[smem:$0x3FA8] =	sst s2  }
0xb: {  	[smem:$0x3FA9] =	sst s3  }
0xc: {  	[smem:$0x3FAA] =	sst s4  }
0xd: {  	[smem:$0x3FAB] =	sst s5  }
0xe: {  	[smem:$0x3FAC] =	sst s6  }
0xf: {  	[smem:$0x3FAD] =	sst s7  }
0x10: {  	[smem:$0x3FAE] =	sst s8  }
0x11: {  	[smem:$0x3FAF] =	sst s9;
	s0 =	simm.s32 @!p0 $0x0  }
0x12: {  	s1 =	sld [smem:$0x3F95];
	s0 =	simm.s32 @p0 $0x1  }
0x13: {  	[smem:$0x3FB0] =	sst s0;
	s0 =	simm.s32 @!p1 $0x0  }
0x14: {  	s2 =	sld [smem:$0x3F94];
	s0 =	simm.s32 @p1 $0x1  }
0x15: {  	[smem:$0x3FB1] =	sst s0;
	s0 =	simm.s32 @!p2 $0x0  }
0x16: {  	s3 =	sld [smem:$0x3FDB];
	s0 =	simm.s32 @p2 $0x1  }
0x17: {  	s4 =	simm.s32 $0x1BF5;
	[smem:$0x3FB3] =	sst s0  }
0x18: {  	s0 =	sld [smem:$0x3F96];
	_ =	swait.ge [sflag:s4], $0x0  }
0x19: {  	s7 =	sld [smem:$0x3F97]  }
0x1a: {  	s8 =	sadd.s32 $0xFFFFE003, lr  }
0x1b: {  	s9 =	sadd.s32 $0xFFFFFEF7, lr;
	s5 =	simm.s32 $0xFFFFFFFF;
	p2 =	slt.u32 s8, $0xFFFFF086  }
0x1c: {  	p1 =	slt.u32 s9, $0xF7A;
	s5 =	simm.s32 @!p2 $0x0  }
0x1d: {  	s5 =	simm.s32 @p1 $0x1;
	p0 =	seq.s32 s7, s2  }
0x1e: {  	s7 =	smul.u32 @!p0 $0xF7A, s2;
	p2 =	seq.s32 @!p0 s5, $0x0  }
0x1f: {  	s9 =	smul.u32 $0xF7A, s1;
	s8 =	simm.s32 @!p0 $0x1BF5;
	p2 =	por !p2, p0  }
0x20: {  	[sflag:s8] =	ssyncset.s32 @!p0 $0xFFFFF086;
	s6 =	sadd.s32 @!p0 s3, s7;
	s7 =	simm.s32 @!p0 $0x108  }
0x21: {  	s3 =	sadd.s32 s3, s9;
	s6 =	sadd.s32 @!p0 $0x88, s6;
	s7 =	simm.s32 @p2 $0x1082  }
0x22: {  	[simem:s7], [sflag:s8] =	dma.local @!p0 [hbm:s6], $0xF7A  }
0x23: {  	s9 =	sor.u32 $0xD0000000, s2;
	s6 =	simm.s32 $0x108;
	_ =	swait.ge @!p0 [sflag:s8], $0x0  }
0x24: {  	s3 =	sadd.s32 $0x88, s3;
	s6 =	simm.s32 @!p1 $0x1082;
	[sflag:s4] =	ssyncset.s32 $0xFFFFF086  }
0x25: {  	[simem:s6], [sflag:s4] =	dma.local [hbm:s3], $0xF7A  }
0x26: {  	[smem:$0x3F97] =	sst s1;
	(tag) =	ssettag s2;
	_ =	strace s9  }
0x27: {  	s1 =	sld [smem:$0x3FA7]  }
0x28: {  	s2 =	sld [smem:$0x3FA8]  }
0x29: {  	s4 =	sld [smem:$0x3FAA]  }
0x2a: {  	p0 =	seq.s32 s5, $0x0;
	s5 =	sld [smem:$0x3FAB]  }
0x2b: {  	s6 =	sld [smem:$0x3FAC]  }
0x2c: {  	s7 =	sld [smem:$0x3FAD]  }
0x2d: {  	s3 =	simm.s32 $0x108;
	s8 =	sld [smem:$0x3FAE]  }
0x2e: {  	s3 =	simm.s32 @!p0 $0x1082;
	s9 =	sld [smem:$0x3FAF]  }
0x2f: {  	lr =	sadd.s32 s0, s3;
	s0 =	sld [smem:$0x3FA6]  }
0x30: {  	s3 =	sld [smem:$0x3FA9]  }
0x31: {  	[smem:$0x3FB2] =	sst s10  }
0x32: {  	s10 =	sld [smem:$0x3FB0];
	_ =	sdelay $0x3  }
0x33: {  	p0 =	seq.s32 s10, $0x1;
	s10 =	sld [smem:$0x3FB2];
	_ =	sdelay $0x3  }
0x34: {  	[smem:$0x3FB2] =	sst s10  }
0x35: {  	s10 =	sld [smem:$0x3FB1];
	_ =	sdelay $0x3  }
0x36: {  	p1 =	seq.s32 s10, $0x1;
	s10 =	sld [smem:$0x3FB2];
	_ =	sdelay $0x3  }
0x37: {  	[smem:$0x3FB2] =	sst s10  }
0x38: {  	s10 =	sld [smem:$0x3FB3]  }
0x39: {  	_ = 	snop;
	(pc) =	sbr.ind lr, $3  }
0x3a: {  	_ = 	snop  }
0x3b: {  	_ = 	snop  }
0x3c: {  	p2 =	seq.s32 s10, $0x1;
	s10 =	sld [smem:$0x3FB2]  }
0x3d: {  	_ =	shalt  }
0x3e: {  	_ =	shalt  }
0x3f: {  	_ =	shalt  }
0x40: {  	_ =	shalt  }
0x41: {  	_ =	shalt  }
0x42: {  	_ =	shalt  }
0x43: {  	_ =	shalt  }
0x44: {  	_ =	shalt  }
0x45: {  	_ =	shalt  }
0x46: {  	_ =	shalt  }
0x47: {  	_ =	shalt  }
0x48: {  	_ =	shalt  }
0x49: {  	_ =	shalt  }
0x4a: {  	_ =	shalt  }
0x4b: {  	_ =	shalt  }
0x4c: {  	_ =	shalt  }
0x4d: {  	_ =	shalt  }
0x4e: {  	_ =	shalt  }
0x4f: {  	_ =	shalt  }
0x50: {  	_ =	shalt  }
0x51: {  	_ =	shalt  }
0x52: {  	_ =	shalt  }
0x53: {  	_ =	shalt  }
0x54: {  	_ =	shalt  }
0x55: {  	_ =	shalt  }
0x56: {  	_ =	shalt  }
0x57: {  	_ =	shalt  }
0x58: {  	_ =	shalt  }
0x59: {  	_ =	shalt  }
0x5a: {  	_ =	shalt  }
0x5b: {  	_ =	shalt  }
0x5c: {  	_ =	shalt  }
0x5d: {  	_ =	shalt  }
0x5e: {  	_ =	shalt  }
0x5f: {  	_ =	shalt  }
0x60: {  	_ =	shalt  }
0x61: {  	_ =	shalt  }
0x62: {  	_ =	shalt  }
0x63: {  	_ =	shalt  }
0x64: {  	_ =	shalt  }
0x65: {  	_ =	shalt  }
0x66: {  	_ =	shalt  }
0x67: {  	_ =	shalt  }
0x68: {  	_ =	shalt  }
0x69: {  	_ =	shalt  }
0x6a: {  	_ =	shalt  }
0x6b: {  	_ =	shalt  }
0x6c: {  	_ =	shalt  }
0x6d: {  	_ =	shalt  }
0x6e: {  	_ =	shalt  }
0x6f: {  	_ =	shalt  }
0x70: {  	_ =	shalt  }
0x71: {  	_ =	shalt  }
0x72: {  	_ =	shalt  }
0x73: {  	_ =	shalt  }
0x74: {  	_ =	shalt  }
0x75: {  	_ =	shalt  }
0x76: {  	_ =	shalt  }
0x77: {  	_ =	shalt  }
0x78: {  	_ =	shalt  }
0x79: {  	_ =	shalt  }
0x7a: {  	_ =	shalt  }
0x7b: {  	_ =	shalt  }
0x7c: {  	_ =	shalt  }
0x7d: {  	_ =	shalt  }
0x7e: {  	_ =	shalt  }
0x7f: {  	_ =	shalt  }
0x80: {  	_ =	shalt  }
0x81: {  	_ =	shalt  }
0x82: {  	_ =	shalt  }
0x83: {  	_ =	shalt  }
0x84: {  	_ =	shalt  }
0x85: {  	_ =	shalt  }
0x86: {  	_ =	shalt  }
0x87: {  	_ =	shalt  }
.Lfunc_end0:
.L_simem_size_0:
called_computation_lowered:
.L_overlay_start_0:
0x88: {  	s2 =	sld [smem:$0x3FD9]  }
0x89: {  	s3 =	sld [smem:$0x3FFE];
	_ =	sdelay $0x1  }
0x8a: {  	s1 =	srdreg.scid  }
0x8b: {  	s0 =	sand.u32 $0x1, s1  }
0x8c: {  	s17 =	sshll.u32 s0, $0xA;
	s2 =	sadd.s32 s3, s2  }
0x8d: {  	s2 =	sadd.s32 s2, s17  }
0x8e: {  	[smem:$0x3FBE] =	sst s2  }
0x8f: {  	_ = 	snop  }
0x90: {  	s2 =	sld [smem:$0x3FC9]  }
0x91: {  	s18 =	sld [smem:$0x3FD0];
	(tm) =	ssettm $0x1  }
0x92: {  	s4 =	sld [smem:$0x3FFB];
	_ =	sdelay $0x3  }
0x93: {  	_ =	strace s4  }
0x94: {  	s4 =	sld [smem:$0x3FFC];
	_ =	sdelay $0x3  }
0x95: {  	_ =	strace s4  }
0x96: {  	s4 =	sld [smem:$0x3FFD];
	_ =	sdelay $0x3  }
0x97: {  	_ =	strace s4  }
0x98: {  	_ =	strace $0x8FFFFFFF  }
0x99: {  	s19 =	sld [smem:$0x3FDB];
	_ =	sdelay $0x1  }
0x9a: {  	s5 =	simm.s32 $_scs_section_size  }
0x9b: {  	s6 =	simm.s32 $_size__tile_overlayer_lowered;
	s7 =	simm.s32 $_tile_overlayer_lowered  }
0x9c: {  	s22 =	simm.s32 $0x1BFF;
	s21 =	sshll.u32 s7, $0x1;
	s4 =	sadd.s32 s5, s19  }
0x9d: {  	s8 =	simm.s32 $0x0;
	s20 =	sshll.u32 s6, $0x1;
	s6 =	sadd.s32 s21, s4  }
0x9e: {  	[timem:s8], [sflag:s22] =	dma.local [hbm:s6], s20  }
0x9f: {  	_ =	swait.ge [sflag:s22], s20  }
0xa0: {  	s5 =	ssub.s32 $0x0, s20;
	[sflag:s22] =	ssyncset.done $0x0  }
0xa1: {  	[sflag:s22] =	ssyncadd.s32 s5;
	_ =	sdelay $0x1  }
0xa2: {  	s23 =	simm.s32 $0x1B8B  }
0xa3: {  	_ =	swait.ge [sflag:s23], $0x1  }
0xa4: {  	[sflag:s23] =	ssyncset.done $0x0  }
0xa5: {  	s25 =	simm.s32 $0x1B8E;
	s24 =	sld [smem:$0x3FFE];
	[sflag:s23] =	ssyncadd.s32 $0xFFFFFFFF  }
0xa6: {  	s26 =	simm.s32 $execute0_lowered;
	[smem:$0x3FD2] =	sst s25  }
0xa7: {  	s6 =	sshll.u32 s26, $0x1;
	_ =	strace $0x80000046;
	[dreg:$0x1] =	wrdreg $0xFFFFFFFF  }
0xa8: {  	s28 =	simm.s32 $_size_execute0_lowered;
	s4 =	sadd.s32 s4, s6;
	[dreg:$0x0] =	wrdreg $0x0  }
0xa9: {  	s6 =	sshll.u32 s28, $0x1;
	[dreg:$0x2] =	wrdreg s4  }
0xaa: {  	[dreg:$0x3] =	wrdreg s6  }
0xab: {  	[dreg:$0x4] =	wrdreg $0xC0  }
0xac: {  	_ =	task [dreg:s8], $0x5FFFF  }
0xad: {  	[dreg:$0x1] =	wrdreg $0xFFFFFFFF  }
0xae: {  	[dreg:$0x0] =	wrdreg $0x60  }
0xaf: {  	[dreg:$0x2] =	wrdreg s2  }
0xb0: {  	[dreg:$0x3] =	wrdreg s18  }
0xb1: {  	[dreg:$0x4] =	wrdreg s24  }
0xb2: {  	[dreg:$0x5] =	wrdreg $0xC1800  }
0xb3: {  	[dreg:$0x6] =	wrdreg $0x9  }
0xb4: {  	_ =	task.clear_ibuf [dreg:s8], $0x7FFFF;
	_ =	strace $0x90000046  }
0xb5: {  	s29 =	simm.s32 $0x9;
	_ =	strace $0x80000048  }
0xb6: {  	_ =	swait.ge [sflag:s29], $0x1  }
0xb7: {  	[sflag:s29] =	ssyncadd.s32 $0xFFFFFFFF  }
0xb8: {  	_ =	strace $0x90000048  }
0xb9: {  	_ =	sfence  }
0xba: {  	s30 =	sld [smem:$0x0];
	_ =	sdelay $0x2  }
0xbb: {  	s31 =	sshll.u32 s1, $0xD;
	s1 =	sshrl.u32 s1, $0x2  }
0xbc: {  	s3 =	sand.u32 $0x4000, s31;
	s1 =	sadd.s32 s1, s30  }
0xbd: {  	s0 =	sor.u32 s3, s0;
	s1 =	sshll.u32 s1, $0x11  }
0xbe: {  	s0 =	sor.u32 s1, s0  }
0xbf: {  	s0 =	sadd.s32 $0x8F2B, s0  }
0xc0: {  	[sflag:s0] =	ssyncadd.remote.s32 $0x1  }
0xc1: {  	_ =	sfence.sel $0xFFFF  }
0xc2: {  	[dreg:$0x0] =	wrdreg $0xFFFFFFFF;
	(pc) =	sbr.abs _section_cstart, $3  }
0xc3: {  	[dreg:$0x1] =	wrdreg $0xFFFFFFFF  }
0xc4: {  	_ =	task.clear_ibuf [dreg:s8], $0x2FFFF;
	_ =	strace $0x9FFFFFFF  }
0xc5: {  	(tm) =	ssettm $0x7FFFFFFF  }
tec
execute0_lowered:
.L_overlay_start_1:
0x0: {  	(tag) =	ssettag $0x1  }
0x1: {  	s1 =	rddreg [dreg:$0x0]  }
0x2: {  	s0 =	rddreg [dreg:$0x1]  }
0x3: {  	s3 =	rddreg [dreg:$0x2]  }
0x4: {  	s2 =	rddreg [dreg:$0x3];
	s4 =	srdreg.scid  }
0x5: {  	s5 =	simm.s32 $0x0;
	s15 =	stileid.u32;
	s28 =	simm.s32 $0x1980  }
0x6: {  	s30 =	simm.s32 $0x0;
	s7 =	sand.u32 $0x1, s4;
	[smem:$0x7FF] =	sst s5  }
0x7: {  	s8 =	smul.u32 $0x13C00, s15;
	s16 =	sadd.s32 $0x1A00, s3;
	s17 =	sshrl.u32 s15, $0x2  }
0x8: {  	s9 =	sshll.u32 s15, $0x8;
	s18 =	sadd.s32 $0x1400, s3;
	s20 =	smul.u32 $0x6000, s15  }
0x9: {  	s24 =	smul.u32 $0x4F000, s15;
	s31 =	sshll.u32 s15, $0x6;
	s15 =	simm.s32 $0x9A00  }
0xa: {  	s6 =	smul.u32 $0x13C000, s7;
	_ =	strace $0x80000047;
	[dreg:$0x5] =	wrdreg s16  }
0xb: {  	s10 =	smul.u32 $0x13C00, s17;
	s11 =	sshll.u32 s7, $0x7;
	s9 =	sand.u32 $0x300, s9  }
0xc: {  	[dreg:$0x6] =	wrdreg s18;
	s21 =	ssub.s32 $0x2, s7;
	s22 =	smul.u32 $0x3000, s7  }
0xd: {  	p0 =	seq.s32 s7, $0x0;
	s16 =	simm.s32 $0x3;
	s17 =	sor.u32 $0x1C03, s31  }
0xe: {  	s9 =	sor.u32 s11, s9;
	s23 =	sshrl.u32 s21, $0x1;
	s11 =	simm.s32 $0x60  }
0xf: {  	s26 =	sshrl.u32 s24, $0x2;
	s24 =	simm.s32 $0x1;
	s8 =	sadd.s32 s8, s6  }
0x10: {  	s19 =	sor.u32 s10, s9;
	s10 =	ssub.s32 s21, s23;
	s25 =	sadd.s32 s22, s20  }
0x11: {  	s11 =	simm.s32 @!p0 $0x3D;
	s18 =	sadd.s32 s26, s2;
	s20 =	simm.s32 $0x1800  }
0x12: {  	s21 =	simm.s32 $0x1A00;
	s22 =	simm.s32 $0x1880;
	s23 =	simm.s32 $0x5A00  }
0x13: {  	s26 =	simm.s32 $0x2;
	s8 =	sshrl.u32 s8, $0x3;
	s29 =	sadd.s32 $0xFFFFFFD1, s11  }
0x14: {  	s14 =	smax.u32 s10, $0x1;
	s12 =	sadd.s32 s8, s3;
	s8 =	sshrl.u32 s19, $0x3  }
0x15: {  	s18 =	sshrl.u32 s18, $0x3;
	s19 =	simm.s32 $0x80;
	s13 =	sadd.s32 s8, s3  }
0x16: {  	s3 =	sshrl.u32 s25, $0x3;
	s8 =	sadd.s32 $0xFFFFFFD0, s11;
	s11 =	sadd.s32 $0xFFFFFFCF, s11  }
0x17: {  	s12 =	sadd.s32 $0xE000, s12;
	s25 =	simm.s32 $0x1900;
	s7 =	sadd.s32 s0, s3  }
0x18: {  	v0 =	vimm.f32 $1.000000000e+00;
	s3 =	sshrl.u32 s29, $0x1;
	s13 =	sadd.s32 $0x4200, s13;
	s9 =	sadd.s32 $0x300, s7  }
.LBB2_1:
0x19: {  	s0 =	simm.s32 $0x0;
	s4 =	rddreg [dreg:$0x6]  }
0x1a: {  	[tilespmem:s15], [sflag:$0x3] =	stream.linear.gather [hbm4b:s4+s0], $0x2780, $0x38;
	[tilespmem:$0x1FD80] =	vst v63  }
0x1b: {  	_ =	swait.ge [sflag:s16], $0x2780  }
0x1c: {  	[sflag:s16] =	ssyncset.done $0x0  }
0x1d: {  	s31 =	rddreg [dreg:$0x5];
	[sflag:s16] =	ssyncadd.s32 $0xFFFFD880  }
0x1e: {  	[spmem:s18], [sflag:s17] =	dma.local [hbm:s31], $0x2780  }
0x1f: {  	_ =	swait.ge [sflag:s16], $0x2780  }
0x20: {  	[sflag:s16] =	ssyncset.done $0x0  }
0x21: {  	[sflag:s16] =	ssyncadd.s32 $0xFFFFD880  }
0x22: {  	[bflag:$0x0] =	sbarrier.arrive $0xFFFF  }
0x23: {  	[tilespmem:s0], [sflag:$0x3] =	stream.linear.gather [hbm4b:s7+s0], $0x1800, $0x38;
	[tilespmem:$0x1FD80] =	vst v63  }
0x24: {  	_ =	swait.ge [sflag:s16], $0x1800  }
0x25: {  	[sflag:s16] =	ssyncset.done $0x0  }
0x26: {  	[sflag:s16] =	ssyncadd.s32 $0xFFFFE800  }
0x27: {  	v1 =	vld [tilespmem:$0x0];
	_ =	sdelay $0x4  }
0x28: {  	v2 =	vand.u32 $0x3FFF, v1;
	_ =	sdelay $0x1  }
0x29: {  	v1 =	vshrl.u32 v1, $0xE  }
0x2a: {  	[tilespmem:$0x1800] =	vst v1  }
0x2b: {  	[tilespmem:$0x1900] =	vst v2  }
0x2c: {  	[tilespmem:v2+s15+$0x0] =	vst.idx.add.f32.msk $0xffff, v0  }
0x2d: {  	v1 =	vld [tilespmem:$0x10];
	_ =	sdelay $0x4  }
0x2e: {  	v2 =	vand.u32 $0x3FFF, v1;
	_ =	sdelay $0x1  }
0x2f: {  	v1 =	vshrl.u32 v1, $0xE  }
0x30: {  	[tilespmem:$0x1810] =	vst v1  }
0x31: {  	[tilespmem:$0x1910] =	vst v2  }
0x32: {  	[tilespmem:v2+s15+$0x0] =	vst.idx.add.f32.msk $0xffff, v0  }
0x33: {  	v1 =	vld [tilespmem:$0x20];
	_ =	sdelay $0x4  }
0x34: {  	v2 =	vand.u32 $0x3FFF, v1;
	_ =	sdelay $0x1  }
0x35: {  	v1 =	vshrl.u32 v1, $0xE  }
0x36: {  	[tilespmem:$0x1820] =	vst v1  }
0x37: {  	[tilespmem:$0x1920] =	vst v2  }
0x38: {  	[tilespmem:v2+s15+$0x0] =	vst.idx.add.f32.msk $0xffff, v0  }
0x39: {  	v1 =	vld [tilespmem:$0x30];
	_ =	sdelay $0x4  }
0x3a: {  	v2 =	vand.u32 $0x3FFF, v1;
	_ =	sdelay $0x1  }
0x3b: {  	v1 =	vshrl.u32 v1, $0xE  }
0x3c: {  	[tilespmem:$0x1830] =	vst v1  }
0x3d: {  	[tilespmem:$0x1930] =	vst v2  }
0x3e: {  	[tilespmem:v2+s15+$0x0] =	vst.idx.add.f32.msk $0xffff, v0  }
0x3f: {  	v1 =	vld [tilespmem:$0x40];
	_ =	sdelay $0x4  }
0x40: {  	v2 =	vand.u32 $0x3FFF, v1;
	_ =	sdelay $0x1  }
0x41: {  	v1 =	vshrl.u32 v1, $0xE  }
0x42: {  	[tilespmem:$0x1840] =	vst v1  }
0x43: {  	[tilespmem:$0x1940] =	vst v2  }
0x44: {  	[tilespmem:v2+s15+$0x0] =	vst.idx.add.f32.msk $0xffff, v0  }
0x45: {  	v1 =	vld [tilespmem:$0x50];
	_ =	sdelay $0x4  }
0x46: {  	v2 =	vand.u32 $0x3FFF, v1;
	_ =	sdelay $0x1  }
0x47: {  	v1 =	vshrl.u32 v1, $0xE  }
0x48: {  	[tilespmem:$0x1850] =	vst v1  }
0x49: {  	[tilespmem:$0x1950] =	vst v2  }
0x4a: {  	[tilespmem:v2+s15+$0x0] =	vst.idx.add.f32.msk $0xffff, v0  }
0x4b: {  	v1 =	vld [tilespmem:$0x60];
	_ =	sdelay $0x4  }
0x4c: {  	v2 =	vand.u32 $0x3FFF, v1;
	_ =	sdelay $0x1  }
0x4d: {  	v1 =	vshrl.u32 v1, $0xE  }
0x4e: {  	[tilespmem:$0x1860] =	vst v1  }
0x4f: {  	[tilespmem:$0x1960] =	vst v2  }
0x50: {  	[tilespmem:v2+s15+$0x0] =	vst.idx.add.f32.msk $0xffff, v0  }
0x51: {  	v1 =	vld [tilespmem:$0x70];
	_ =	sdelay $0x4  }
0x52: {  	v2 =	vand.u32 $0x3FFF, v1;
	_ =	sdelay $0x1  }
0x53: {  	v1 =	vshrl.u32 v1, $0xE  }
0x54: {  	[tilespmem:$0x1870] =	vst v1  }
0x55: {  	[tilespmem:$0x1970] =	vst v2  }
0x56: {  	[tilespmem:v2+s15+$0x0] =	vst.idx.add.f32.msk $0xffff, v0  }
0x57: {  	[tilespmem:s21], [sflag:$0x1] =	stream.indirect.gather [hbm4b:s1+s19], $0x80, s20, s19, $0xb8;
	[tilespmem:$0x1FD80] =	vst v63  }
0x58: {  	v1 =	vld [tilespmem:$0x80];
	_ =	sdelay $0x4  }
0x59: {  	v2 =	vand.u32 $0x3FFF, v1;
	_ =	sdelay $0x1  }
0x5a: {  	v1 =	vshrl.u32 v1, $0xE  }
0x5b: {  	[tilespmem:$0x1880] =	vst v1  }
0x5c: {  	[tilespmem:$0x1980] =	vst v2  }
0x5d: {  	[tilespmem:v2+s15+$0x0] =	vst.idx.add.f32.msk $0xffff, v0  }
0x5e: {  	v1 =	vld [tilespmem:$0x90];
	_ =	sdelay $0x4  }
0x5f: {  	v2 =	vand.u32 $0x3FFF, v1;
	_ =	sdelay $0x1  }
0x60: {  	v1 =	vshrl.u32 v1, $0xE  }
0x61: {  	[tilespmem:$0x1890] =	vst v1  }
0x62: {  	[tilespmem:$0x1990] =	vst v2  }
0x63: {  	[tilespmem:v2+s15+$0x0] =	vst.idx.add.f32.msk $0xffff, v0  }
0x64: {  	v1 =	vld [tilespmem:$0xA0];
	_ =	sdelay $0x4  }
0x65: {  	v2 =	vand.u32 $0x3FFF, v1;
	_ =	sdelay $0x1  }
0x66: {  	v1 =	vshrl.u32 v1, $0xE  }
0x67: {  	[tilespmem:$0x18A0] =	vst v1  }
0x68: {  	[tilespmem:$0x19A0] =	vst v2  }
0x69: {  	[tilespmem:v2+s15+$0x0] =	vst.idx.add.f32.msk $0xffff, v0  }
0x6a: {  	v1 =	vld [tilespmem:$0xB0];
	_ =	sdelay $0x4  }
0x6b: {  	v2 =	vand.u32 $0x3FFF, v1;
	_ =	sdelay $0x1  }
0x6c: {  	v1 =	vshrl.u32 v1, $0xE  }
0x6d: {  	[tilespmem:$0x18B0] =	vst v1  }
0x6e: {  	[tilespmem:$0x19B0] =	vst v2  }
0x6f: {  	[tilespmem:v2+s15+$0x0] =	vst.idx.add.f32.msk $0xffff, v0  }
0x70: {  	v1 =	vld [tilespmem:$0xC0];
	_ =	sdelay $0x4  }
0x71: {  	v2 =	vand.u32 $0x3FFF, v1;
	_ =	sdelay $0x1  }
0x72: {  	v1 =	vshrl.u32 v1, $0xE  }
0x73: {  	[tilespmem:$0x18C0] =	vst v1  }
0x74: {  	[tilespmem:$0x19C0] =	vst v2  }
0x75: {  	[tilespmem:v2+s15+$0x0] =	vst.idx.add.f32.msk $0xffff, v0  }
0x76: {  	v1 =	vld [tilespmem:$0xD0];
	_ =	sdelay $0x4  }
0x77: {  	v2 =	vand.u32 $0x3FFF, v1;
	_ =	sdelay $0x1  }
0x78: {  	v1 =	vshrl.u32 v1, $0xE  }
0x79: {  	[tilespmem:$0x18D0] =	vst v1  }
0x7a: {  	[tilespmem:$0x19D0] =	vst v2  }
0x7b: {  	[tilespmem:v2+s15+$0x0] =	vst.idx.add.f32.msk $0xffff, v0  }
0x7c: {  	v1 =	vld [tilespmem:$0xE0];
	_ =	sdelay $0x4  }
0x7d: {  	v2 =	vand.u32 $0x3FFF, v1;
	_ =	sdelay $0x1  }
0x7e: {  	v1 =	vshrl.u32 v1, $0xE  }
0x7f: {  	[tilespmem:$0x18E0] =	vst v1  }
0x80: {  	[tilespmem:$0x19E0] =	vst v2  }
0x81: {  	[tilespmem:v2+s15+$0x0] =	vst.idx.add.f32.msk $0xffff, v0  }
0x82: {  	v1 =	vld [tilespmem:$0xF0];
	_ =	sdelay $0x4  }
0x83: {  	v2 =	vand.u32 $0x3FFF, v1;
	_ =	sdelay $0x1  }
0x84: {  	v1 =	vshrl.u32 v1, $0xE  }
0x85: {  	[tilespmem:$0x18F0] =	vst v1  }
0x86: {  	[tilespmem:$0x19F0] =	vst v2  }
0x87: {  	[tilespmem:v2+s15+$0x0] =	vst.idx.add.f32.msk $0xffff, v0  }
0x88: {  	[tilespmem:s23], [sflag:$0x2] =	stream.indirect.gather [hbm4b:s1+s19], $0x80, s22, s19, $0xb8;
	[tilespmem:$0x1FD80] =	vst v63  }
0x89: {  	_ =	swait.ge [sflag:s24], $0x4000  }
0x8a: {  	[sflag:s24] =	ssyncset.done $0x0  }
0x8b: {  	[sflag:s24] =	ssyncadd.s32 $0xFFFFC000  }
0x8c: {  	[spmem:s2] =	stream.indirect.scatter.add.f32 [tilespmem:s21], [sflag:$0x3], $0x80, s25, s19, $0xb8;
	[tilespmem:$0x1FD80] =	vst v63  }
0x8d: {  	_ =	swait.ge [sflag:s16], $0x4000  }
0x8e: {  	[sflag:s16] =	ssyncset.done $0x0  }
0x8f: {  	s0 =	simm.s32 $0x0;
	[sflag:s16] =	ssyncadd.s32 $0xFFFFC000  }
.LBB2_2:
0x90: {  	s10 =	sshra.s32 s0, $0x2  }
0x91: {  	v1 =	vld [tilespmem:s10+$0x100];
	_ =	sdelay $0x4  }
0x92: {  	v2 =	vand.u32 $0x3FFF, v1;
	_ =	sdelay $0x1  }
0x93: {  	v1 =	vshrl.u32 v1, $0xE  }
0x94: {  	[tilespmem:$0x1800] =	vst v1  }
0x95: {  	[tilespmem:$0x1900] =	vst v2  }
0x96: {  	[tilespmem:v2+s15+$0x0] =	vst.idx.add.f32.msk $0xffff, v0  }
0x97: {  	v1 =	vld [tilespmem:s10+$0x110];
	_ =	sdelay $0x4  }
0x98: {  	v2 =	vand.u32 $0x3FFF, v1;
	_ =	sdelay $0x1  }
0x99: {  	v1 =	vshrl.u32 v1, $0xE  }
0x9a: {  	[tilespmem:$0x1810] =	vst v1  }
0x9b: {  	[tilespmem:$0x1910] =	vst v2  }
0x9c: {  	[tilespmem:v2+s15+$0x0] =	vst.idx.add.f32.msk $0xffff, v0  }
0x9d: {  	v1 =	vld [tilespmem:s10+$0x120];
	_ =	sdelay $0x4  }
0x9e: {  	v2 =	vand.u32 $0x3FFF, v1;
	_ =	sdelay $0x1  }
0x9f: {  	v1 =	vshrl.u32 v1, $0xE  }
0xa0: {  	[tilespmem:$0x1820] =	vst v1  }
0xa1: {  	[tilespmem:$0x1920] =	vst v2  }
0xa2: {  	[tilespmem:v2+s15+$0x0] =	vst.idx.add.f32.msk $0xffff, v0  }
0xa3: {  	v1 =	vld [tilespmem:s10+$0x130];
	_ =	sdelay $0x4  }
0xa4: {  	v2 =	vand.u32 $0x3FFF, v1;
	_ =	sdelay $0x1  }
0xa5: {  	v1 =	vshrl.u32 v1, $0xE  }
0xa6: {  	[tilespmem:$0x1830] =	vst v1  }
0xa7: {  	[tilespmem:$0x1930] =	vst v2  }
0xa8: {  	[tilespmem:v2+s15+$0x0] =	vst.idx.add.f32.msk $0xffff, v0  }
0xa9: {  	v1 =	vld [tilespmem:s10+$0x140];
	_ =	sdelay $0x4  }
0xaa: {  	v2 =	vand.u32 $0x3FFF, v1;
	_ =	sdelay $0x1  }
0xab: {  	v1 =	vshrl.u32 v1, $0xE  }
0xac: {  	[tilespmem:$0x1840] =	vst v1  }
0xad: {  	[tilespmem:$0x1940] =	vst v2  }
0xae: {  	[tilespmem:v2+s15+$0x0] =	vst.idx.add.f32.msk $0xffff, v0  }
0xaf: {  	v1 =	vld [tilespmem:s10+$0x150];
	_ =	sdelay $0x4  }
0xb0: {  	v2 =	vand.u32 $0x3FFF, v1;
	_ =	sdelay $0x1  }
0xb1: {  	v1 =	vshrl.u32 v1, $0xE  }
0xb2: {  	[tilespmem:$0x1850] =	vst v1  }
0xb3: {  	[tilespmem:$0x1950] =	vst v2  }
0xb4: {  	[tilespmem:v2+s15+$0x0] =	vst.idx.add.f32.msk $0xffff, v0  }
0xb5: {  	v1 =	vld [tilespmem:s10+$0x160];
	_ =	sdelay $0x4  }
0xb6: {  	v2 =	vand.u32 $0x3FFF, v1;
	_ =	sdelay $0x1  }
0xb7: {  	v1 =	vshrl.u32 v1, $0xE  }
0xb8: {  	[tilespmem:$0x1860] =	vst v1  }
0xb9: {  	[tilespmem:$0x1960] =	vst v2  }
0xba: {  	[tilespmem:v2+s15+$0x0] =	vst.idx.add.f32.msk $0xffff, v0  }
0xbb: {  	v1 =	vld [tilespmem:s10+$0x170];
	_ =	sdelay $0x4  }
0xbc: {  	v2 =	vand.u32 $0x3FFF, v1;
	_ =	sdelay $0x1  }
0xbd: {  	v1 =	vshrl.u32 v1, $0xE  }
0xbe: {  	[tilespmem:$0x1870] =	vst v1  }
0xbf: {  	[tilespmem:$0x1970] =	vst v2  }
0xc0: {  	[tilespmem:v2+s15+$0x0] =	vst.idx.add.f32.msk $0xffff, v0  }
0xc1: {  	[tilespmem:s21], [sflag:$0x1] =	stream.indirect.gather [hbm4b:s1+s19], $0x80, s20, s19, $0xb8;
	[tilespmem:$0x1FD80] =	vst v63  }
0xc2: {  	_ =	swait.ge [sflag:s26], $0x4000  }
0xc3: {  	[sflag:s26] =	ssyncset.done $0x0  }
0xc4: {  	[sflag:s26] =	ssyncadd.s32 $0xFFFFC000  }
0xc5: {  	[spmem:s2] =	stream.indirect.scatter.add.f32 [tilespmem:s23], [sflag:$0x3], $0x80, s28, s19, $0xb8;
	[tilespmem:$0x1FD80] =	vst v63  }
0xc6: {  	_ =	swait.ge [sflag:s16], $0x4000  }
0xc7: {  	[sflag:s16] =	ssyncset.done $0x0  }
0xc8: {  	[sflag:s16] =	ssyncadd.s32 $0xFFFFC000  }
0xc9: {  	v1 =	vld [tilespmem:s10+$0x180];
	_ =	sdelay $0x4  }
0xca: {  	v2 =	vand.u32 $0x3FFF, v1;
	_ =	sdelay $0x1  }
0xcb: {  	v1 =	vshrl.u32 v1, $0xE  }
0xcc: {  	[tilespmem:$0x1880] =	vst v1  }
0xcd: {  	[tilespmem:$0x1980] =	vst v2  }
0xce: {  	[tilespmem:v2+s15+$0x0] =	vst.idx.add.f32.msk $0xffff, v0  }
0xcf: {  	v1 =	vld [tilespmem:s10+$0x190];
	_ =	sdelay $0x4  }
0xd0: {  	v2 =	vand.u32 $0x3FFF, v1;
	_ =	sdelay $0x1  }
0xd1: {  	v1 =	vshrl.u32 v1, $0xE  }
0xd2: {  	[tilespmem:$0x1890] =	vst v1  }
0xd3: {  	[tilespmem:$0x1990] =	vst v2  }
0xd4: {  	[tilespmem:v2+s15+$0x0] =	vst.idx.add.f32.msk $0xffff, v0  }
0xd5: {  	v1 =	vld [tilespmem:s10+$0x1A0];
	_ =	sdelay $0x4  }
0xd6: {  	v2 =	vand.u32 $0x3FFF, v1;
	_ =	sdelay $0x1  }
0xd7: {  	v1 =	vshrl.u32 v1, $0xE  }
0xd8: {  	[tilespmem:$0x18A0] =	vst v1  }
0xd9: {  	[tilespmem:$0x19A0] =	vst v2  }
0xda: {  	[tilespmem:v2+s15+$0x0] =	vst.idx.add.f32.msk $0xffff, v0  }
0xdb: {  	v1 =	vld [tilespmem:s10+$0x1B0];
	_ =	sdelay $0x4  }
0xdc: {  	v2 =	vand.u32 $0x3FFF, v1;
	_ =	sdelay $0x1  }
0xdd: {  	v1 =	vshrl.u32 v1, $0xE  }
0xde: {  	[tilespmem:$0x18B0] =	vst v1  }
0xdf: {  	[tilespmem:$0x19B0] =	vst v2  }
0xe0: {  	[tilespmem:v2+s15+$0x0] =	vst.idx.add.f32.msk $0xffff, v0  }
0xe1: {  	v1 =	vld [tilespmem:s10+$0x1C0];
	_ =	sdelay $0x4  }
0xe2: {  	v2 =	vand.u32 $0x3FFF, v1;
	_ =	sdelay $0x1  }
0xe3: {  	v1 =	vshrl.u32 v1, $0xE  }
0xe4: {  	[tilespmem:$0x18C0] =	vst v1  }
0xe5: {  	[tilespmem:$0x19C0] =	vst v2  }
0xe6: {  	[tilespmem:v2+s15+$0x0] =	vst.idx.add.f32.msk $0xffff, v0  }
0xe7: {  	v1 =	vld [tilespmem:s10+$0x1D0];
	_ =	sdelay $0x4  }
0xe8: {  	v2 =	vand.u32 $0x3FFF, v1;
	_ =	sdelay $0x1  }
0xe9: {  	v1 =	vshrl.u32 v1, $0xE  }
0xea: {  	[tilespmem:$0x18D0] =	vst v1  }
0xeb: {  	[tilespmem:$0x19D0] =	vst v2  }
0xec: {  	[tilespmem:v2+s15+$0x0] =	vst.idx.add.f32.msk $0xffff, v0  }
0xed: {  	v1 =	vld [tilespmem:s10+$0x1E0];
	_ =	sdelay $0x4  }
0xee: {  	v2 =	vand.u32 $0x3FFF, v1;
	_ =	sdelay $0x1  }
0xef: {  	v1 =	vshrl.u32 v1, $0xE  }
0xf0: {  	[tilespmem:$0x18E0] =	vst v1  }
0xf1: {  	[tilespmem:$0x19E0] =	vst v2  }
0xf2: {  	[tilespmem:v2+s15+$0x0] =	vst.idx.add.f32.msk $0xffff, v0  }
0xf3: {  	v1 =	vld [tilespmem:s10+$0x1F0];
	_ =	sdelay $0x4  }
0xf4: {  	v2 =	vand.u32 $0x3FFF, v1;
	_ =	sdelay $0x1  }
0xf5: {  	v1 =	vshrl.u32 v1, $0xE  }
0xf6: {  	[tilespmem:$0x18F0] =	vst v1  }
0xf7: {  	[tilespmem:$0x19F0] =	vst v2  }
0xf8: {  	[tilespmem:v2+s15+$0x0] =	vst.idx.add.f32.msk $0xffff, v0  }
0xf9: {  	[tilespmem:s23], [sflag:$0x2] =	stream.indirect.gather [hbm4b:s1+s19], $0x80, s22, s19, $0xb8;
	[tilespmem:$0x1FD80] =	vst v63  }
0xfa: {  	_ =	swait.ge [sflag:s24], $0x4000  }
0xfb: {  	p0 =	sne.s32 s0, $0x5800;
	[sflag:s24] =	ssyncset.done $0x0  }
.Ltmp0:
0xfc: {  	[sflag:s24] =	ssyncadd.s32 $0xFFFFC000;
	(pc) =	sbr.rel @p0 .LBB2_2-.Ltmp0, $4  }
0xfd: {  	[spmem:s2] =	stream.indirect.scatter.add.f32 [tilespmem:s21], [sflag:$0x3], $0x80, s25, s19, $0xb8;
	[tilespmem:$0x1FD80] =	vst v63  }
0xfe: {  	_ =	swait.ge [sflag:s16], $0x4000  }
0xff: {  	[sflag:s16] =	ssyncset.done $0x0  }
0x100: {  	s0 =	sadd.s32 $0x400, s0;
	[sflag:s16] =	ssyncadd.s32 $0xFFFFC000  }
0x101: {  	_ =	swait.ge [sflag:s26], $0x4000  }
0x102: {  	[sflag:s26] =	ssyncset.done $0x0  }
0x103: {  	[sflag:s26] =	ssyncadd.s32 $0xFFFFC000  }
0x104: {  	[spmem:s2] =	stream.indirect.scatter.add.f32 [tilespmem:s23], [sflag:$0x3], $0x80, s28, s19, $0xb8;
	[tilespmem:$0x1FD80] =	vst v63  }
0x105: {  	_ =	swait.ge [sflag:s16], $0x4000  }
0x106: {  	[sflag:s16] =	ssyncset.done $0x0  }
0x107: {  	s31 =	simm.s32 $0x0;
	[sflag:s16] =	ssyncadd.s32 $0xFFFFC000  }
0x108: {  	[tilespmem:s31], [sflag:$0x3] =	stream.linear.gather [hbm4b:s9+s31], $0x1800, $0x38;
	[tilespmem:$0x1FD80] =	vst v63  }
0x109: {  	_ =	swait.ge [sflag:s16], $0x1800  }
0x10a: {  	[sflag:s16] =	ssyncset.done $0x0  }
0x10b: {  	[sflag:s16] =	ssyncadd.s32 $0xFFFFE800  }
0x10c: {  	v1 =	vld [tilespmem:$0x0];
	_ =	sdelay $0x4  }
0x10d: {  	v2 =	vand.u32 $0x3FFF, v1;
	_ =	sdelay $0x1  }
0x10e: {  	v1 =	vshrl.u32 v1, $0xE  }
0x10f: {  	[tilespmem:$0x1800] =	vst v1  }
0x110: {  	[tilespmem:$0x1900] =	vst v2  }
0x111: {  	[tilespmem:v2+s15+$0x0] =	vst.idx.add.f32.msk $0xffff, v0  }
0x112: {  	v1 =	vld [tilespmem:$0x10];
	_ =	sdelay $0x4  }
0x113: {  	v2 =	vand.u32 $0x3FFF, v1;
	_ =	sdelay $0x1  }
0x114: {  	v1 =	vshrl.u32 v1, $0xE  }
0x115: {  	[tilespmem:$0x1810] =	vst v1  }
0x116: {  	[tilespmem:$0x1910] =	vst v2  }
0x117: {  	[tilespmem:v2+s15+$0x0] =	vst.idx.add.f32.msk $0xffff, v0  }
0x118: {  	v1 =	vld [tilespmem:$0x20];
	_ =	sdelay $0x4  }
0x119: {  	v2 =	vand.u32 $0x3FFF, v1;
	_ =	sdelay $0x1  }
0x11a: {  	v1 =	vshrl.u32 v1, $0xE  }
0x11b: {  	[tilespmem:$0x1820] =	vst v1  }
0x11c: {  	[tilespmem:$0x1920] =	vst v2  }
0x11d: {  	[tilespmem:v2+s15+$0x0] =	vst.idx.add.f32.msk $0xffff, v0  }
0x11e: {  	v1 =	vld [tilespmem:$0x30];
	_ =	sdelay $0x4  }
0x11f: {  	v2 =	vand.u32 $0x3FFF, v1;
	_ =	sdelay $0x1  }
0x120: {  	v1 =	vshrl.u32 v1, $0xE  }
0x121: {  	[tilespmem:$0x1830] =	vst v1  }
0x122: {  	[tilespmem:$0x1930] =	vst v2  }
0x123: {  	[tilespmem:v2+s15+$0x0] =	vst.idx.add.f32.msk $0xffff, v0  }
0x124: {  	v1 =	vld [tilespmem:$0x40];
	_ =	sdelay $0x4  }
0x125: {  	v2 =	vand.u32 $0x3FFF, v1;
	_ =	sdelay $0x1  }
0x126: {  	v1 =	vshrl.u32 v1, $0xE  }
0x127: {  	[tilespmem:$0x1840] =	vst v1  }
0x128: {  	[tilespmem:$0x1940] =	vst v2  }
0x129: {  	[tilespmem:v2+s15+$0x0] =	vst.idx.add.f32.msk $0xffff, v0  }
0x12a: {  	v1 =	vld [tilespmem:$0x50];
	_ =	sdelay $0x4  }
0x12b: {  	v2 =	vand.u32 $0x3FFF, v1;
	_ =	sdelay $0x1  }
0x12c: {  	v1 =	vshrl.u32 v1, $0xE  }
0x12d: {  	[tilespmem:$0x1850] =	vst v1  }
0x12e: {  	[tilespmem:$0x1950] =	vst v2  }
0x12f: {  	[tilespmem:v2+s15+$0x0] =	vst.idx.add.f32.msk $0xffff, v0  }
0x130: {  	v1 =	vld [tilespmem:$0x60];
	_ =	sdelay $0x4  }
0x131: {  	v2 =	vand.u32 $0x3FFF, v1;
	_ =	sdelay $0x1  }
0x132: {  	v1 =	vshrl.u32 v1, $0xE  }
0x133: {  	[tilespmem:$0x1860] =	vst v1  }
0x134: {  	[tilespmem:$0x1960] =	vst v2  }
0x135: {  	[tilespmem:v2+s15+$0x0] =	vst.idx.add.f32.msk $0xffff, v0  }
0x136: {  	v1 =	vld [tilespmem:$0x70];
	_ =	sdelay $0x4  }
0x137: {  	v2 =	vand.u32 $0x3FFF, v1;
	_ =	sdelay $0x1  }
0x138: {  	v1 =	vshrl.u32 v1, $0xE  }
0x139: {  	[tilespmem:$0x1870] =	vst v1  }
0x13a: {  	[tilespmem:$0x1970] =	vst v2  }
0x13b: {  	[tilespmem:v2+s15+$0x0] =	vst.idx.add.f32.msk $0xffff, v0  }
0x13c: {  	[tilespmem:s21], [sflag:$0x1] =	stream.indirect.gather [hbm4b:s1+s19], $0x80, s20, s19, $0xb8;
	[tilespmem:$0x1FD80] =	vst v63  }
0x13d: {  	v1 =	vld [tilespmem:$0x80];
	_ =	sdelay $0x4  }
0x13e: {  	v2 =	vand.u32 $0x3FFF, v1;
	_ =	sdelay $0x1  }
0x13f: {  	v1 =	vshrl.u32 v1, $0xE  }
0x140: {  	[tilespmem:$0x1880] =	vst v1  }
0x141: {  	[tilespmem:$0x1980] =	vst v2  }
0x142: {  	[tilespmem:v2+s15+$0x0] =	vst.idx.add.f32.msk $0xffff, v0  }
0x143: {  	v1 =	vld [tilespmem:$0x90];
	_ =	sdelay $0x4  }
0x144: {  	v2 =	vand.u32 $0x3FFF, v1;
	_ =	sdelay $0x1  }
0x145: {  	v1 =	vshrl.u32 v1, $0xE  }
0x146: {  	[tilespmem:$0x1890] =	vst v1  }
0x147: {  	[tilespmem:$0x1990] =	vst v2  }
0x148: {  	[tilespmem:v2+s15+$0x0] =	vst.idx.add.f32.msk $0xffff, v0  }
0x149: {  	v1 =	vld [tilespmem:$0xA0];
	_ =	sdelay $0x4  }
0x14a: {  	v2 =	vand.u32 $0x3FFF, v1;
	_ =	sdelay $0x1  }
0x14b: {  	v1 =	vshrl.u32 v1, $0xE  }
0x14c: {  	[tilespmem:$0x18A0] =	vst v1  }
0x14d: {  	[tilespmem:$0x19A0] =	vst v2  }
0x14e: {  	[tilespmem:v2+s15+$0x0] =	vst.idx.add.f32.msk $0xffff, v0  }
0x14f: {  	v1 =	vld [tilespmem:$0xB0];
	_ =	sdelay $0x4  }
0x150: {  	v2 =	vand.u32 $0x3FFF, v1;
	_ =	sdelay $0x1  }
0x151: {  	v1 =	vshrl.u32 v1, $0xE  }
0x152: {  	[tilespmem:$0x18B0] =	vst v1  }
0x153: {  	[tilespmem:$0x19B0] =	vst v2  }
0x154: {  	[tilespmem:v2+s15+$0x0] =	vst.idx.add.f32.msk $0xffff, v0  }
0x155: {  	v1 =	vld [tilespmem:$0xC0];
	_ =	sdelay $0x4  }
0x156: {  	v2 =	vand.u32 $0x3FFF, v1;
	_ =	sdelay $0x1  }
0x157: {  	v1 =	vshrl.u32 v1, $0xE  }
0x158: {  	[tilespmem:$0x18C0] =	vst v1  }
0x159: {  	[tilespmem:$0x19C0] =	vst v2  }
0x15a: {  	[tilespmem:v2+s15+$0x0] =	vst.idx.add.f32.msk $0xffff, v0  }
0x15b: {  	v1 =	vld [tilespmem:$0xD0];
	_ =	sdelay $0x4  }
0x15c: {  	v2 =	vand.u32 $0x3FFF, v1;
	_ =	sdelay $0x1  }
0x15d: {  	v1 =	vshrl.u32 v1, $0xE  }
0x15e: {  	[tilespmem:$0x18D0] =	vst v1  }
0x15f: {  	[tilespmem:$0x19D0] =	vst v2  }
0x160: {  	[tilespmem:v2+s15+$0x0] =	vst.idx.add.f32.msk $0xffff, v0  }
0x161: {  	v1 =	vld [tilespmem:$0xE0];
	_ =	sdelay $0x4  }
0x162: {  	v2 =	vand.u32 $0x3FFF, v1;
	_ =	sdelay $0x1  }
0x163: {  	v1 =	vshrl.u32 v1, $0xE  }
0x164: {  	[tilespmem:$0x18E0] =	vst v1  }
0x165: {  	[tilespmem:$0x19E0] =	vst v2  }
0x166: {  	[tilespmem:v2+s15+$0x0] =	vst.idx.add.f32.msk $0xffff, v0  }
0x167: {  	v1 =	vld [tilespmem:$0xF0];
	_ =	sdelay $0x4  }
0x168: {  	v2 =	vand.u32 $0x3FFF, v1;
	_ =	sdelay $0x1  }
0x169: {  	v1 =	vshrl.u32 v1, $0xE  }
0x16a: {  	[tilespmem:$0x18F0] =	vst v1  }
0x16b: {  	[tilespmem:$0x19F0] =	vst v2  }
0x16c: {  	s0 =	simm.s32 $0x1F0;
	s10 =	smov.u32 s3;
	[tilespmem:v2+s15+$0x0] =	vst.idx.add.f32.msk $0xffff, v0  }
0x16d: {  	[tilespmem:s23], [sflag:$0x2] =	stream.indirect.gather [hbm4b:s1+s19], $0x80, s22, s19, $0xb8;
	[tilespmem:$0x1FD80] =	vst v63  }
.LBB2_4:
0x16e: {  	_ =	swait.ge [sflag:s24], $0x4000  }
0x16f: {  	[sflag:s24] =	ssyncset.done $0x0  }
0x170: {  	[sflag:s24] =	ssyncadd.s32 $0xFFFFC000  }
0x171: {  	[spmem:s2] =	stream.indirect.scatter.add.f32 [tilespmem:s21], [sflag:$0x3], $0x80, s25, s19, $0xb8;
	[tilespmem:$0x1FD80] =	vst v63  }
0x172: {  	_ =	swait.ge [sflag:s16], $0x4000  }
0x173: {  	s29 =	sadd.s32 $0x2, s31;
	[sflag:s16] =	ssyncset.done $0x0  }
0x174: {  	p0 =	sge.s32 s29, s8;
	[sflag:s16] =	ssyncadd.s32 $0xFFFFC000  }
0x175: {  	v1 =	vld @!p0 [tilespmem:s0+$0xFFFFFF10];
	_ =	sdelay $0x4  }
0x176: {  	v2 =	vand.u32 @!p0 $0x3FFF, v1;
	_ =	sdelay $0x1  }
0x177: {  	v1 =	vshrl.u32 @!p0 v1, $0xE  }
0x178: {  	[tilespmem:$0x1800] =	vst @!p0 v1  }
0x179: {  	s4 =	simm.s32 @!p0 $0x9A00;
	[tilespmem:$0x1900] =	vst @!p0 v2;
	v1 =	vimm.f32 @!p0 $1.000000000e+00  }
0x17a: {  	[tilespmem:v2+s4+$0x0] =	vst.idx.add.f32.msk @!p0 $0xffff, v1  }
0x17b: {  	v2 =	vld @!p0 [tilespmem:s0+$0xFFFFFF20];
	_ =	sdelay $0x4  }
0x17c: {  	v3 =	vand.u32 @!p0 $0x3FFF, v2;
	_ =	sdelay $0x1  }
0x17d: {  	v2 =	vshrl.u32 @!p0 v2, $0xE  }
0x17e: {  	[tilespmem:$0x1810] =	vst @!p0 v2  }
0x17f: {  	[tilespmem:$0x1910] =	vst @!p0 v3  }
0x180: {  	[tilespmem:v3+s4+$0x0] =	vst.idx.add.f32.msk @!p0 $0xffff, v1  }
0x181: {  	v2 =	vld @!p0 [tilespmem:s0+$0xFFFFFF30];
	_ =	sdelay $0x4  }
0x182: {  	v3 =	vand.u32 @!p0 $0x3FFF, v2;
	_ =	sdelay $0x1  }
0x183: {  	v2 =	vshrl.u32 @!p0 v2, $0xE  }
0x184: {  	[tilespmem:$0x1820] =	vst @!p0 v2  }
0x185: {  	[tilespmem:$0x1920] =	vst @!p0 v3  }
0x186: {  	[tilespmem:v3+s4+$0x0] =	vst.idx.add.f32.msk @!p0 $0xffff, v1  }
0x187: {  	v2 =	vld @!p0 [tilespmem:s0+$0xFFFFFF40];
	_ =	sdelay $0x4  }
0x188: {  	v3 =	vand.u32 @!p0 $0x3FFF, v2;
	_ =	sdelay $0x1  }
0x189: {  	v2 =	vshrl.u32 @!p0 v2, $0xE  }
0x18a: {  	[tilespmem:$0x1830] =	vst @!p0 v2  }
0x18b: {  	[tilespmem:$0x1930] =	vst @!p0 v3  }
0x18c: {  	[tilespmem:v3+s4+$0x0] =	vst.idx.add.f32.msk @!p0 $0xffff, v1  }
0x18d: {  	v2 =	vld @!p0 [tilespmem:s0+$0xFFFFFF50];
	_ =	sdelay $0x4  }
0x18e: {  	v3 =	vand.u32 @!p0 $0x3FFF, v2;
	_ =	sdelay $0x1  }
0x18f: {  	v2 =	vshrl.u32 @!p0 v2, $0xE  }
0x190: {  	[tilespmem:$0x1840] =	vst @!p0 v2  }
0x191: {  	[tilespmem:$0x1940] =	vst @!p0 v3  }
0x192: {  	[tilespmem:v3+s4+$0x0] =	vst.idx.add.f32.msk @!p0 $0xffff, v1  }
0x193: {  	v2 =	vld @!p0 [tilespmem:s0+$0xFFFFFF60];
	_ =	sdelay $0x4  }
0x194: {  	v3 =	vand.u32 @!p0 $0x3FFF, v2;
	_ =	sdelay $0x1  }
0x195: {  	v2 =	vshrl.u32 @!p0 v2, $0xE  }
0x196: {  	[tilespmem:$0x1850] =	vst @!p0 v2  }
0x197: {  	[tilespmem:$0x1950] =	vst @!p0 v3  }
0x198: {  	[tilespmem:v3+s4+$0x0] =	vst.idx.add.f32.msk @!p0 $0xffff, v1  }
0x199: {  	v2 =	vld @!p0 [tilespmem:s0+$0xFFFFFF70];
	_ =	sdelay $0x4  }
0x19a: {  	v3 =	vand.u32 @!p0 $0x3FFF, v2;
	_ =	sdelay $0x1  }
0x19b: {  	v2 =	vshrl.u32 @!p0 v2, $0xE  }
0x19c: {  	[tilespmem:$0x1860] =	vst @!p0 v2  }
0x19d: {  	[tilespmem:$0x1960] =	vst @!p0 v3  }
0x19e: {  	[tilespmem:v3+s4+$0x0] =	vst.idx.add.f32.msk @!p0 $0xffff, v1  }
0x19f: {  	v2 =	vld @!p0 [tilespmem:s0+$0xFFFFFF80];
	_ =	sdelay $0x4  }
0x1a0: {  	v3 =	vand.u32 @!p0 $0x3FFF, v2;
	_ =	sdelay $0x1  }
0x1a1: {  	v2 =	vshrl.u32 @!p0 v2, $0xE  }
0x1a2: {  	[tilespmem:$0x1870] =	vst @!p0 v2  }
0x1a3: {  	[tilespmem:$0x1970] =	vst @!p0 v3  }
0x1a4: {  	s5 =	simm.s32 @!p0 $0x1800;
	s6 =	simm.s32 @!p0 $0x1A00;
	[tilespmem:v3+s4+$0x0] =	vst.idx.add.f32.msk @!p0 $0xffff, v1;
	s4 =	simm.s32 @!p0 $0x80  }
0x1a5: {  	[tilespmem:s6], [sflag:$0x1] =	stream.indirect.gather @!p0 [hbm4b:s1+s4], $0x80, s5, s4, $0xb8;
	[tilespmem:$0x1FD80] =	vst v63  }
0x1a6: {  	p0 =	sge.s32 s31, s11  }
0x1a7: {  	s4 =	simm.s32 @!p0 $0x2  }
0x1a8: {  	_ =	swait.ge @!p0 [sflag:s4], $0x4000  }
0x1a9: {  	s5 =	simm.s32 @!p0 $0x1980;
	[sflag:s4] =	ssyncset.done @!p0 $0x0  }
0x1aa: {  	s6 =	simm.s32 @!p0 $0x5A00;
	[sflag:s4] =	ssyncadd.s32 @!p0 $0xFFFFC000;
	s4 =	simm.s32 @!p0 $0x80  }
0x1ab: {  	[spmem:s2] =	stream.indirect.scatter.add.f32 @!p0 [tilespmem:s6], [sflag:$0x3], $0x80, s5, s4, $0xb8;
	[tilespmem:$0x1FD80] =	vst v63  }
0x1ac: {  	s4 =	simm.s32 @!p0 $0x3  }
0x1ad: {  	_ =	swait.ge @!p0 [sflag:s4], $0x4000  }
0x1ae: {  	s6 =	sadd.s32 $0x3, s31;
	[sflag:s4] =	ssyncset.done @!p0 $0x0  }
0x1af: {  	[sflag:s4] =	ssyncadd.s32 @!p0 $0xFFFFC000;
	p0 =	sge.s32 s6, s8  }
0x1b0: {  	v1 =	vld @!p0 [tilespmem:s0+$0xFFFFFF90];
	_ =	sdelay $0x4  }
0x1b1: {  	v2 =	vand.u32 @!p0 $0x3FFF, v1;
	_ =	sdelay $0x1  }
0x1b2: {  	v1 =	vshrl.u32 @!p0 v1, $0xE  }
0x1b3: {  	[tilespmem:$0x1880] =	vst @!p0 v1  }
0x1b4: {  	s4 =	simm.s32 @!p0 $0x9A00;
	[tilespmem:$0x1980] =	vst @!p0 v2;
	v1 =	vimm.f32 @!p0 $1.000000000e+00  }
0x1b5: {  	[tilespmem:v2+s4+$0x0] =	vst.idx.add.f32.msk @!p0 $0xffff, v1  }
0x1b6: {  	v2 =	vld @!p0 [tilespmem:s0+$0xFFFFFFA0];
	_ =	sdelay $0x4  }
0x1b7: {  	v3 =	vand.u32 @!p0 $0x3FFF, v2;
	_ =	sdelay $0x1  }
0x1b8: {  	v2 =	vshrl.u32 @!p0 v2, $0xE  }
0x1b9: {  	[tilespmem:$0x1890] =	vst @!p0 v2  }
0x1ba: {  	[tilespmem:$0x1990] =	vst @!p0 v3  }
0x1bb: {  	[tilespmem:v3+s4+$0x0] =	vst.idx.add.f32.msk @!p0 $0xffff, v1  }
0x1bc: {  	v2 =	vld @!p0 [tilespmem:s0+$0xFFFFFFB0];
	_ =	sdelay $0x4  }
0x1bd: {  	v3 =	vand.u32 @!p0 $0x3FFF, v2;
	_ =	sdelay $0x1  }
0x1be: {  	v2 =	vshrl.u32 @!p0 v2, $0xE  }
0x1bf: {  	[tilespmem:$0x18A0] =	vst @!p0 v2  }
0x1c0: {  	[tilespmem:$0x19A0] =	vst @!p0 v3  }
0x1c1: {  	[tilespmem:v3+s4+$0x0] =	vst.idx.add.f32.msk @!p0 $0xffff, v1  }
0x1c2: {  	v2 =	vld @!p0 [tilespmem:s0+$0xFFFFFFC0];
	_ =	sdelay $0x4  }
0x1c3: {  	v3 =	vand.u32 @!p0 $0x3FFF, v2;
	_ =	sdelay $0x1  }
0x1c4: {  	v2 =	vshrl.u32 @!p0 v2, $0xE  }
0x1c5: {  	[tilespmem:$0x18B0] =	vst @!p0 v2  }
0x1c6: {  	[tilespmem:$0x19B0] =	vst @!p0 v3  }
0x1c7: {  	[tilespmem:v3+s4+$0x0] =	vst.idx.add.f32.msk @!p0 $0xffff, v1  }
0x1c8: {  	v2 =	vld @!p0 [tilespmem:s0+$0xFFFFFFD0];
	_ =	sdelay $0x4  }
0x1c9: {  	v3 =	vand.u32 @!p0 $0x3FFF, v2;
	_ =	sdelay $0x1  }
0x1ca: {  	v2 =	vshrl.u32 @!p0 v2, $0xE  }
0x1cb: {  	[tilespmem:$0x18C0] =	vst @!p0 v2  }
0x1cc: {  	[tilespmem:$0x19C0] =	vst @!p0 v3  }
0x1cd: {  	[tilespmem:v3+s4+$0x0] =	vst.idx.add.f32.msk @!p0 $0xffff, v1  }
0x1ce: {  	v2 =	vld @!p0 [tilespmem:s0+$0xFFFFFFE0];
	_ =	sdelay $0x4  }
0x1cf: {  	v3 =	vand.u32 @!p0 $0x3FFF, v2;
	_ =	sdelay $0x1  }
0x1d0: {  	v2 =	vshrl.u32 @!p0 v2, $0xE  }
0x1d1: {  	[tilespmem:$0x18D0] =	vst @!p0 v2  }
0x1d2: {  	[tilespmem:$0x19D0] =	vst @!p0 v3  }
0x1d3: {  	[tilespmem:v3+s4+$0x0] =	vst.idx.add.f32.msk @!p0 $0xffff, v1  }
0x1d4: {  	v2 =	vld @!p0 [tilespmem:s0+$0xFFFFFFF0];
	_ =	sdelay $0x4  }
0x1d5: {  	v3 =	vand.u32 @!p0 $0x3FFF, v2;
	_ =	sdelay $0x1  }
0x1d6: {  	v2 =	vshrl.u32 @!p0 v2, $0xE  }
0x1d7: {  	[tilespmem:$0x18E0] =	vst @!p0 v2  }
0x1d8: {  	[tilespmem:$0x19E0] =	vst @!p0 v3  }
0x1d9: {  	[tilespmem:v3+s4+$0x0] =	vst.idx.add.f32.msk @!p0 $0xffff, v1  }
0x1da: {  	v2 =	vld @!p0 [tilespmem:s0+$0x0];
	_ =	sdelay $0x4  }
0x1db: {  	v3 =	vand.u32 @!p0 $0x3FFF, v2;
	_ =	sdelay $0x1  }
0x1dc: {  	v2 =	vshrl.u32 @!p0 v2, $0xE  }
0x1dd: {  	[tilespmem:$0x18F0] =	vst @!p0 v2  }
0x1de: {  	s10 =	sadd.s32 $0xFFFFFFFF, s10;
	[tilespmem:$0x19F0] =	vst @!p0 v3  }
0x1df: {  	s5 =	simm.s32 @!p0 $0x1880;
	s6 =	simm.s32 @!p0 $0x5A00;
	[tilespmem:v3+s4+$0x0] =	vst.idx.add.f32.msk @!p0 $0xffff, v1;
	s4 =	simm.s32 @!p0 $0x80  }
0x1e0: {  	[tilespmem:s6], [sflag:$0x2] =	stream.indirect.gather @!p0 [hbm4b:s1+s4], $0x80, s5, s4, $0xb8;
	[tilespmem:$0x1FD80] =	vst v63  }
0x1e1: {  	p0 =	sne.s32 s10, $0x0  }
.Ltmp1:
0x1e2: {  	_ = 	snop;
	(pc) =	sbr.rel @p0 .LBB2_4-.Ltmp1, $2  }
0x1e3: {  	_ =	sdelay $0x2  }
0x1e4: {  	s31 =	smov.u32 s29;
	s0 =	sadd.s32 $0x100, s0  }
0x1e5: {  	[bflag:$0x0] =	sbarrier.arrive $0xFFFF  }
0x1e6: {  	[hbm:s12], [sflag:s17] =	dma.local [spmem:s18], $0x2780  }
0x1e7: {  	s30 =	sadd.s32 $0x1, s30;
	_ =	swait.ge [sflag:s16], $0x2780  }
0x1e8: {  	p0 =	sne.s32 s30, s14;
	[sflag:s16] =	ssyncset.done $0x0  }
.Ltmp2:
0x1e9: {  	s0 =	simm.s32 $0x400;
	[sflag:s16] =	ssyncadd.s32 $0xFFFFD880;
	(pc) =	sbr.rel @p0 .LBB2_1-.Ltmp2, $4  }
0x1ea: {  	[hbm4b:s13+s19] =	stream.strided.scatter [tilespmem:s15], [sflag:$0x3], $0x2780, s0, s19, $0x38;
	[tilespmem:$0x1FD80] =	vst v63  }
0x1eb: {  	_ =	swait.ge [sflag:s16], $0x2780  }
0x1ec: {  	[sflag:s16] =	ssyncset.done $0x0  }
0x1ed: {  	[sflag:s16] =	ssyncadd.s32 $0xFFFFD880  }
0x1ee: {  	_ =	sfence.sel $0x180000  }
0x1ef: {  	[bflag:$0x0] =	sbarrier.arrive $0xFFFF  }
0x1f0: {  	_ =	strace $0x90000047  }
0x1f1: {  	s0 =	stileid.u32;
	[bflag:$0x2] =	sbarrier.arrive $0xFFFF  }
0x1f2: {  	p0 =	sne.s32 s0, $0x0;
	s0 =	rddreg [dreg:$0x4]  }
0x1f3: {  	s0 =	sadd.s32 @!p0 $0x100000, s0  }
0x1f4: {  	[sflag:s0] =	ssyncadd.tile.s32 @!p0 $0x1;
	_ =	shalt  }
.Lfunc_end2:
_tile_overlayer_lowered:
.L_overlay_start_2:
0x1f5: {  	(tag) =	ssettag $0x2  }
0x1f6: {  	s0 =	rddreg [dreg:$0x0];
	s2 =	stileid.u32  }
0x1f7: {  	s1 =	rddreg [dreg:$0x1];
	p0 =	sne.s32 s2, $0x0  }
0x1f8: {  	s3 =	rddreg [dreg:$0x2];
	[bflag:$0x3] =	sbarrier.arrive $0xFFFF;
	s2 =	simm.s32 @!p0 $0x1C03  }
0x1f9: {  	[timem:s3], [sflag:s2] =	dma.local @!p0 [hbm:s0], s1  }
0x1fa: {  	s0 =	simm.s32 @!p0 $0x3  }
0x1fb: {  	_ =	swait.ge @!p0 [sflag:s0], s1  }
0x1fc: {  	s1 =	ssub.s32 @!p0 $0x0, s1;
	[sflag:s0] =	ssyncset.done @!p0 $0x0  }
0x1fd: {  	[sflag:s0] =	ssyncadd.s32 @!p0 s1  }
0x1fe: {  	[bflag:$0x3] =	sbarrier.arrive $0xFFFF  }
0x1ff: {  	_ =	shalt  }

</sc_bundles>
